<compile_context>
chip_gen: v7x
topology: tpu7x:2x2x1
jax: 0.10.2.dev20260603
libtpu: 0.0.44.dev20260713+nightly
codegen_flags: <defaults>
</compile_context>

<pallas_src>
import jax
import jax.numpy as jnp
from jax import lax
from jax.experimental import pallas as pl
from jax.experimental.pallas import tpu as pltpu
from jax.experimental.pallas import tpu_sc as plsc

B = 16384
L = 50
D = 64
M0 = 16
M1 = 32
MTOT = M0 + M1

NW = 32
ROWS_W = B // NW
GROUPS = ROWS_W // 16
IDX_W = ROWS_W * L


def _make_sc_hist_tiled(nbins, stride):
    cnt_w = ROWS_W * stride

    def body(idx_hbm, counts_hbm, idx_v, cnt_v, sem):
        c = lax.axis_index("c")
        s = lax.axis_index("s")
        wid = s * 2 + c
        base = wid * ROWS_W
        cp = pltpu.async_copy(idx_hbm.at[pl.ds(base, ROWS_W), :], idx_v, sem)

        zeros16 = jnp.zeros((16,), jnp.float32)
        lane = lax.iota(jnp.int32, 16)
        ones16 = jnp.ones((16,), jnp.float32)

        @plsc.parallel_loop(0, ROWS_W, unroll=8)
        def zero_body(i):
            for j in range(nbins // 16):
                cnt_v[pl.ds(i * stride + j * 16, 16)] = zeros16

        cp.wait()

        @plsc.parallel_loop(0, GROUPS)
        def g_body(g):
            rows = g * 16 + lane
            trow = rows * stride

            @plsc.parallel_loop(0, L, unroll=10)
            def l_body(l):
                cols = jnp.full((16,), l, jnp.int32)
                v = plsc.load_gather(idx_v, [rows, cols])
                b = lax.bitwise_and(v, nbins - 1)
                plsc.addupdate_scatter(cnt_v, [trow + b], ones16)

        pltpu.sync_copy(cnt_v, counts_hbm.at[pl.ds(base * stride, cnt_w)])

    def call(idx):
        return pl.kernel(
            body,
            out_type=jax.ShapeDtypeStruct((B * stride,), jnp.float32),
            mesh=plsc.VectorSubcoreMesh(
                core_axis_name="c", subcore_axis_name="s"),
            compiler_params=pltpu.CompilerParams(
                needs_layout_passes=False, use_tc_tiling_on_sc=True),
            scratch_types=[
                pltpu.VMEM((ROWS_W, L), jnp.int32),
                pltpu.VMEM((cnt_w,), jnp.float32),
                pltpu.SemaphoreType.DMA,
            ],
        )(idx)

    return call


def _make_sc_hist_flat(nbins, stride):
    cnt_w = ROWS_W * stride

    def body(idx_hbm, counts_hbm, idx_v, cnt_v, sem):
        c = lax.axis_index("c")
        s = lax.axis_index("s")
        wid = s * 2 + c
        cp = pltpu.async_copy(idx_hbm.at[pl.ds(wid * IDX_W, IDX_W)], idx_v, sem)

        zeros16 = jnp.zeros((16,), jnp.float32)
        lane = lax.iota(jnp.int32, 16)
        ones16 = jnp.ones((16,), jnp.float32)

        @plsc.parallel_loop(0, ROWS_W, unroll=8)
        def zero_body(i):
            for j in range(nbins // 16):
                cnt_v[pl.ds(i * stride + j * 16, 16)] = zeros16

        cp.wait()

        @plsc.parallel_loop(0, GROUPS)
        def g_body(g):
            rows = g * 16 + lane
            addr_base = rows * L
            trow = rows * stride

            @plsc.parallel_loop(0, L, unroll=10)
            def l_body(l):
                v = plsc.load_gather(idx_v, [addr_base + l])
                b = lax.bitwise_and(v, nbins - 1)
                plsc.addupdate_scatter(cnt_v, [trow + b], ones16)

        pltpu.sync_copy(
            cnt_v, counts_hbm.at[pl.ds(wid * cnt_w, cnt_w)])

    def call(idx_flat):
        return pl.kernel(
            body,
            out_type=jax.ShapeDtypeStruct((B * stride,), jnp.float32),
            mesh=plsc.VectorSubcoreMesh(
                core_axis_name="c", subcore_axis_name="s"),
            compiler_params=pltpu.CompilerParams(needs_layout_passes=False),
            scratch_types=[
                pltpu.VMEM((IDX_W,), jnp.int32),
                pltpu.VMEM((cnt_w,), jnp.float32),
                pltpu.SemaphoreType.DMA,
            ],
        )(idx_flat)

    return call


C1_STRIDE = 128
_sc_hist0 = _make_sc_hist_tiled(M0, M0)
_sc_hist1 = _make_sc_hist_flat(M1, C1_STRIDE)


TC_ROWS = 2048
NBLK = B // TC_ROWS


def _tc_matmul_body(c0_ref, c1_ref, w_ref, pred_ref, loss_ref):
    i = pl.program_id(0)
    c = jnp.concatenate([c0_ref[...], c1_ref[:, :M1]], axis=1)
    p = jnp.dot(
        c,
        w_ref[...],
        preferred_element_type=jnp.float32,
        precision=lax.Precision.HIGHEST,
    )
    pred_ref[...] = p

    @pl.when(i == 0)
    def _():
        loss_ref[...] = jnp.zeros((1, 1), jnp.float32)

    loss_ref[...] += jnp.sum(p).reshape(1, 1)

    @pl.when(i == NBLK - 1)
    def _():
        loss_ref[...] = loss_ref[...] / (B * 2 * D)


def _tc_matmul(c0, c1, w):
    return pl.pallas_call(
        _tc_matmul_body,
        grid=(NBLK,),
        in_specs=[
            pl.BlockSpec((TC_ROWS, M0), lambda i: (i, 0)),
            pl.BlockSpec((TC_ROWS, C1_STRIDE), lambda i: (i, 0)),
            pl.BlockSpec((MTOT, 2 * D), lambda i: (0, 0)),
        ],
        out_specs=[
            pl.BlockSpec((TC_ROWS, 2 * D), lambda i: (i, 0)),
            pl.BlockSpec((1, 1), lambda i: (0, 0)),
        ],
        out_shape=[
            jax.ShapeDtypeStruct((B, 2 * D), jnp.float32),
            jax.ShapeDtypeStruct((1, 1), jnp.float32),
        ],
    )(c0, c1, w)


def kernel(indices_0, indices_1, table_0, table_1):
    counts0 = _sc_hist0(indices_0).reshape(B, M0)
    counts1 = _sc_hist1(indices_1.reshape(-1)).reshape(B, C1_STRIDE)
    w = (
        jnp.zeros((MTOT, 2 * D), table_0.dtype)
        .at[:M0, :D].set(table_0)
        .at[M0:, D:].set(table_1)
    )
    pred, loss = _tc_matmul(counts0, counts1, w)
    return loss[0, 0], pred

# --- scband reference (transcript-rebuilt; emitter-appended) ---
"""Pipeline reference for scband-sparse-arch-54820962566737 (READ-ONLY COPY).

The authoritative reference and input builder live on the scoring server;
editing this copy changes nothing except your own understanding.
"""

import jax, jax.numpy as jnp
import numpy as np

B = 16384
L = 50
D = 64
MAX_OUT_0 = 16
MAX_OUT_1 = 32
MAX_IN = 32


def setup_inputs(seed: int = 0) -> dict:
    key = jax.random.key(seed)
    k0, k1, k2, k3 = jax.random.split(key, 4)
    indices_0 = jax.random.randint(k0, (B, L), 0, MAX_IN, dtype=jnp.int64 if jax.config.jax_enable_x64 else jnp.int32).astype(jnp.int32)
    indices_1 = jax.random.randint(k1, (B, L), 0, MAX_IN, dtype=jnp.int64 if jax.config.jax_enable_x64 else jnp.int32).astype(jnp.int32)
    table_0 = jax.random.normal(k2, (MAX_OUT_0, D), dtype=jnp.float32)
    table_1 = jax.random.normal(k3, (MAX_OUT_1, D), dtype=jnp.float32)
    return {"indices_0": indices_0, "indices_1": indices_1, "table_0": table_0, "table_1": table_1}


def reference(indices_0, indices_1, table_0, table_1):
    # TrivialManagedCollisionModule: remap raw ids (< max_input_id) into
    # [0, max_output_id) via modulo before the EmbeddingBagCollection lookup.
    remapped_0 = jnp.mod(indices_0, MAX_OUT_0)
    remapped_1 = jnp.mod(indices_1, MAX_OUT_1)
    # EmbeddingBagCollection with SUM pooling over the jagged dimension
    # (here a fixed length L per sample).
    pooled_0 = jnp.take(table_0, remapped_0, axis=0).sum(axis=1)  # [B, D]
    pooled_1 = jnp.take(table_1, remapped_1, axis=0).sum(axis=1)  # [B, D]
    pred = jnp.concatenate([pooled_0, pooled_1], axis=1)  # [B, 2*D]
    loss = pred.mean()
    return (loss, pred)

if __name__ == "__main__":
    import jax
    _d = setup_inputs()
    print(jax.jit(kernel)(*tuple(_d.values())))

</pallas_src>

<mosaic_0001>
#map = affine_map<(d0, d1) -> (0, 0)>
#map1 = affine_map<(d0, d1) -> (0)>
module attributes {stable_mosaic.version = 14 : i64} {
  func.func @body(%arg0: i32, %arg1: i32, %arg2: memref<16384x50xi32, #tpu.memory_space<hbm>>, %arg3: memref<262144xf32, #tpu.memory_space<hbm>>, %arg4: memref<512x50xi32, #tpu.memory_space<vmem>>, %arg5: memref<8192xf32, #tpu.memory_space<vmem>>, %arg6: memref<!tpu.dma_semaphore, #tpu.memory_space<semaphore_mem>>) attributes {dimension_semantics = [#tpu.dimension_semantics<core_parallel>, #tpu.dimension_semantics<subcore_parallel>], iteration_bounds = array<i64: 2, 16>, scalar_prefetch = 0 : i64, scratch_operands = 3 : i64, tpu.core_type = #tpu.core_type<sc_vector_subcore>, window_params = [{transform_indices = #map}, {transform_indices = #map1}]} {
    %mul3A = arith.constant 2 : i32
    %mul3A_0 = arith.muli %arg1, %mul3A : i32
    %add3A = arith.addi %mul3A_0, %arg0 : i32
    %mul3A_1 = arith.constant 512 : i32
    %mul3A_2 = arith.muli %add3A, %mul3A_1 : i32
    %dma_start3A = arith.constant 0 : i32
    %dma_start3A_3 = tpu.memref_slice %arg2[%mul3A_2, %dma_start3A] : memref<16384x50xi32, #tpu.memory_space<hbm>> -> memref<512x50xi32, #tpu.memory_space<hbm>>
    %dma_start3A_4 = arith.constant 0 : i32
    %dma_start3A_5 = tpu.memref_slice %arg2[%mul3A_2, %dma_start3A_4] : memref<16384x50xi32, #tpu.memory_space<hbm>> -> memref<512x50xi32, #tpu.memory_space<hbm>>
    tpu.enqueue_dma source(%dma_start3A_5 : memref<512x50xi32, #tpu.memory_space<hbm>>) target(%arg4 : memref<512x50xi32, #tpu.memory_space<vmem>>) target_semaphore(%arg6 : memref<!tpu.dma_semaphore, #tpu.memory_space<semaphore_mem>>)
    %broadcast_in_dim3A = arith.constant 0.000000e+00 : f32
    %broadcast_in_dim3A_6 = vector.broadcast %broadcast_in_dim3A : f32 to vector<16xf32>
    %iota3A = tpu.iota {dimensions = array<i32: 0>} : vector<16xi32>
    %broadcast_in_dim3A_7 = arith.constant 1.000000e+00 : f32
    %broadcast_in_dim3A_8 = vector.broadcast %broadcast_in_dim3A_7 : f32 to vector<16xf32>
    %parallel_loop3A = arith.constant 0 : i32
    %parallel_loop3A_9 = arith.constant 512 : i32
    %parallel_loop3A_10 = arith.constant 1 : i32
    scf.for %parallel_loop3A_19 = %parallel_loop3A to %parallel_loop3A_9 step %parallel_loop3A_10  : i32 {
      %parallel_loop3A_20 = arith.constant 16 : i32
      %parallel_loop3A_21 = arith.muli %parallel_loop3A_19, %parallel_loop3A_20 : i32
      %parallel_loop3A_22 = arith.constant 0 : i32
      %parallel_loop3A_23 = arith.addi %parallel_loop3A_21, %parallel_loop3A_22 : i32
      %parallel_loop3A_24 = arith.index_cast %parallel_loop3A_23 : i32 to index
      %parallel_loop3A_25 = tpu.vector_load %arg5[%parallel_loop3A_24] {strides = array<i32>} : memref<8192xf32, #tpu.memory_space<vmem>>, vector<16xf32>,
      tpu.vector_store %arg5[%parallel_loop3A_24], %broadcast_in_dim3A_6 {strides = array<i32>} : memref<8192xf32, #tpu.memory_space<vmem>>, vector<16xf32>,
    } {sc.loop_unroll_factor = 8 : i64, sc.parallel_access}
    %dma_wait3A = arith.constant 0 : i32
    %dma_wait3A_11 = tpu.memref_slice %arg2[%mul3A_2, %dma_wait3A] : memref<16384x50xi32, #tpu.memory_space<hbm>> -> memref<512x50xi32, #tpu.memory_space<hbm>>
    %dma_wait3A_12 = arith.constant 0 : i32
    %dma_wait3A_13 = tpu.memref_slice %arg2[%mul3A_2, %dma_wait3A_12] : memref<16384x50xi32, #tpu.memory_space<hbm>> -> memref<512x50xi32, #tpu.memory_space<hbm>>
    tpu.wait_dma2 semaphore(%arg6 : memref<!tpu.dma_semaphore, #tpu.memory_space<semaphore_mem>>) src(%dma_wait3A_13 : memref<512x50xi32, #tpu.memory_space<hbm>>) dst(%arg4 : memref<512x50xi32, #tpu.memory_space<vmem>>)
    %parallel_loop3A_14 = arith.constant 0 : i32
    %parallel_loop3A_15 = arith.constant 32 : i32
    %parallel_loop3A_16 = arith.constant 1 : i32
    scf.for %parallel_loop3A_19 = %parallel_loop3A_14 to %parallel_loop3A_15 step %parallel_loop3A_16  : i32 {
      %parallel_loop3A_20 = arith.constant 16 : i32
      %parallel_loop3A_21 = arith.muli %parallel_loop3A_19, %parallel_loop3A_20 : i32
      %parallel_loop3A_22 = vector.broadcast %parallel_loop3A_21 : i32 to vector<16xi32>
      %parallel_loop3A_23 = arith.addi %parallel_loop3A_22, %iota3A : vector<16xi32>
      %parallel_loop3A_24 = arith.constant 16 : i32
      %parallel_loop3A_25 = vector.broadcast %parallel_loop3A_24 : i32 to vector<16xi32>
      %parallel_loop3A_26 = arith.muli %parallel_loop3A_23, %parallel_loop3A_25 : vector<16xi32>
      %parallel_loop3A_27 = arith.constant 0 : i32
      %parallel_loop3A_28 = arith.constant 50 : i32
      %parallel_loop3A_29 = arith.constant 1 : i32
      scf.for %parallel_loop3A_30 = %parallel_loop3A_27 to %parallel_loop3A_28 step %parallel_loop3A_29  : i32 {
        %parallel_loop3A_31 = vector.broadcast %parallel_loop3A_30 : i32 to vector<16xi32>
        %parallel_loop3A_32 = tpu.vector_load_idx %arg4[%parallel_loop3A_23, %parallel_loop3A_31] : memref<512x50xi32, #tpu.memory_space<vmem>>[vector<16xi32>, vector<16xi32>], vector<16xi32>,
        %parallel_loop3A_33 = arith.constant 15 : i32
        %parallel_loop3A_34 = vector.broadcast %parallel_loop3A_33 : i32 to vector<16xi32>
        %parallel_loop3A_35 = arith.andi %parallel_loop3A_32, %parallel_loop3A_34 : vector<16xi32>
        %parallel_loop3A_36 = arith.addi %parallel_loop3A_26, %parallel_loop3A_35 : vector<16xi32>
        tpu.vector_store_idx %arg5[%parallel_loop3A_36], %broadcast_in_dim3A_8 {add = true} : memref<8192xf32, #tpu.memory_space<vmem>>[vector<16xi32>], vector<16xf32>,
      } {sc.loop_unroll_factor = 10 : i64, sc.parallel_access}
    } {sc.loop_unroll_factor = 1 : i64, sc.parallel_access}
    %mul3A_17 = arith.constant 16 : i32
    %mul3A_18 = arith.muli %mul3A_2, %mul3A_17 : i32
    "tpu.region"() ({
      %run_scoped3A = tpu.sem_alloc : memref<!tpu.dma_semaphore, #tpu.memory_space<semaphore_mem>>
      %dma_start3A_19 = tpu.memref_slice %arg3[%mul3A_18] : memref<262144xf32, #tpu.memory_space<hbm>> -> memref<8192xf32, #tpu.memory_space<hbm>>
      %dma_start3A_20 = tpu.memref_slice %arg3[%mul3A_18] : memref<262144xf32, #tpu.memory_space<hbm>> -> memref<8192xf32, #tpu.memory_space<hbm>>
      tpu.enqueue_dma source(%arg5 : memref<8192xf32, #tpu.memory_space<vmem>>) target(%dma_start3A_20 : memref<8192xf32, #tpu.memory_space<hbm>>) target_semaphore(%run_scoped3A : memref<!tpu.dma_semaphore, #tpu.memory_space<semaphore_mem>>)
      %dma_wait3A_21 = tpu.memref_slice %arg3[%mul3A_18] : memref<262144xf32, #tpu.memory_space<hbm>> -> memref<8192xf32, #tpu.memory_space<hbm>>
      %dma_wait3A_22 = tpu.memref_slice %arg3[%mul3A_18] : memref<262144xf32, #tpu.memory_space<hbm>> -> memref<8192xf32, #tpu.memory_space<hbm>>
      tpu.wait_dma2 semaphore(%run_scoped3A : memref<!tpu.dma_semaphore, #tpu.memory_space<semaphore_mem>>) src(%arg5 : memref<8192xf32, #tpu.memory_space<vmem>>) dst(%dma_wait3A_22 : memref<8192xf32, #tpu.memory_space<hbm>>)
      tpu.yield
    }) : () -> ()
    return
  }
}

#map = affine_map<(d0, d1) -> (0)>
module attributes {stable_mosaic.version = 14 : i64} {
  func.func @body(%arg0: i32, %arg1: i32, %arg2: memref<819200xi32, #tpu.memory_space<hbm>>, %arg3: memref<2097152xf32, #tpu.memory_space<hbm>>, %arg4: memref<25600xi32, #tpu.memory_space<vmem>>, %arg5: memref<65536xf32, #tpu.memory_space<vmem>>, %arg6: memref<!tpu.dma_semaphore, #tpu.memory_space<semaphore_mem>>) attributes {dimension_semantics = [#tpu.dimension_semantics<core_parallel>, #tpu.dimension_semantics<subcore_parallel>], iteration_bounds = array<i64: 2, 16>, scalar_prefetch = 0 : i64, scratch_operands = 3 : i64, tpu.core_type = #tpu.core_type<sc_vector_subcore>, window_params = [{transform_indices = #map}, {transform_indices = #map}]} {
    %mul3A = arith.constant 2 : i32
    %mul3A_0 = arith.muli %arg1, %mul3A : i32
    %add3A = arith.addi %mul3A_0, %arg0 : i32
    %mul3A_1 = arith.constant 25600 : i32
    %mul3A_2 = arith.muli %add3A, %mul3A_1 : i32
    %dma_start3A = tpu.memref_slice %arg2[%mul3A_2] : memref<819200xi32, #tpu.memory_space<hbm>> -> memref<25600xi32, #tpu.memory_space<hbm>>
    %dma_start3A_3 = tpu.memref_slice %arg2[%mul3A_2] : memref<819200xi32, #tpu.memory_space<hbm>> -> memref<25600xi32, #tpu.memory_space<hbm>>
    tpu.enqueue_dma source(%dma_start3A_3 : memref<25600xi32, #tpu.memory_space<hbm>>) target(%arg4 : memref<25600xi32, #tpu.memory_space<vmem>>) target_semaphore(%arg6 : memref<!tpu.dma_semaphore, #tpu.memory_space<semaphore_mem>>)
    %broadcast_in_dim3A = arith.constant 0.000000e+00 : f32
    %broadcast_in_dim3A_4 = vector.broadcast %broadcast_in_dim3A : f32 to vector<16xf32>
    %iota3A = tpu.iota {dimensions = array<i32: 0>} : vector<16xi32>
    %broadcast_in_dim3A_5 = arith.constant 1.000000e+00 : f32
    %broadcast_in_dim3A_6 = vector.broadcast %broadcast_in_dim3A_5 : f32 to vector<16xf32>
    %parallel_loop3A = arith.constant 0 : i32
    %parallel_loop3A_7 = arith.constant 512 : i32
    %parallel_loop3A_8 = arith.constant 1 : i32
    scf.for %parallel_loop3A_15 = %parallel_loop3A to %parallel_loop3A_7 step %parallel_loop3A_8  : i32 {
      %parallel_loop3A_16 = arith.constant 128 : i32
      %parallel_loop3A_17 = arith.muli %parallel_loop3A_15, %parallel_loop3A_16 : i32
      %parallel_loop3A_18 = arith.constant 0 : i32
      %parallel_loop3A_19 = arith.addi %parallel_loop3A_17, %parallel_loop3A_18 : i32
      %parallel_loop3A_20 = arith.index_cast %parallel_loop3A_19 : i32 to index
      %parallel_loop3A_21 = tpu.vector_load %arg5[%parallel_loop3A_20] {strides = array<i32>} : memref<65536xf32, #tpu.memory_space<vmem>>, vector<16xf32>,
      tpu.vector_store %arg5[%parallel_loop3A_20], %broadcast_in_dim3A_4 {strides = array<i32>} : memref<65536xf32, #tpu.memory_space<vmem>>, vector<16xf32>,
      %parallel_loop3A_22 = arith.constant 128 : i32
      %parallel_loop3A_23 = arith.muli %parallel_loop3A_15, %parallel_loop3A_22 : i32
      %parallel_loop3A_24 = arith.constant 16 : i32
      %parallel_loop3A_25 = arith.addi %parallel_loop3A_23, %parallel_loop3A_24 : i32
      %parallel_loop3A_26 = arith.index_cast %parallel_loop3A_25 : i32 to index
      %parallel_loop3A_27 = tpu.vector_load %arg5[%parallel_loop3A_26] {strides = array<i32>} : memref<65536xf32, #tpu.memory_space<vmem>>, vector<16xf32>,
      tpu.vector_store %arg5[%parallel_loop3A_26], %broadcast_in_dim3A_4 {strides = array<i32>} : memref<65536xf32, #tpu.memory_space<vmem>>, vector<16xf32>,
    } {sc.loop_unroll_factor = 8 : i64, sc.parallel_access}
    %dma_wait3A = tpu.memref_slice %arg2[%mul3A_2] : memref<819200xi32, #tpu.memory_space<hbm>> -> memref<25600xi32, #tpu.memory_space<hbm>>
    %dma_wait3A_9 = tpu.memref_slice %arg2[%mul3A_2] : memref<819200xi32, #tpu.memory_space<hbm>> -> memref<25600xi32, #tpu.memory_space<hbm>>
    tpu.wait_dma2 semaphore(%arg6 : memref<!tpu.dma_semaphore, #tpu.memory_space<semaphore_mem>>) src(%dma_wait3A_9 : memref<25600xi32, #tpu.memory_space<hbm>>) dst(%arg4 : memref<25600xi32, #tpu.memory_space<vmem>>)
    %parallel_loop3A_10 = arith.constant 0 : i32
    %parallel_loop3A_11 = arith.constant 32 : i32
    %parallel_loop3A_12 = arith.constant 1 : i32
    scf.for %parallel_loop3A_15 = %parallel_loop3A_10 to %parallel_loop3A_11 step %parallel_loop3A_12  : i32 {
      %parallel_loop3A_16 = arith.constant 16 : i32
      %parallel_loop3A_17 = arith.muli %parallel_loop3A_15, %parallel_loop3A_16 : i32
      %parallel_loop3A_18 = vector.broadcast %parallel_loop3A_17 : i32 to vector<16xi32>
      %parallel_loop3A_19 = arith.addi %parallel_loop3A_18, %iota3A : vector<16xi32>
      %parallel_loop3A_20 = arith.constant 50 : i32
      %parallel_loop3A_21 = vector.broadcast %parallel_loop3A_20 : i32 to vector<16xi32>
      %parallel_loop3A_22 = arith.muli %parallel_loop3A_19, %parallel_loop3A_21 : vector<16xi32>
      %parallel_loop3A_23 = arith.constant 128 : i32
      %parallel_loop3A_24 = vector.broadcast %parallel_loop3A_23 : i32 to vector<16xi32>
      %parallel_loop3A_25 = arith.muli %parallel_loop3A_19, %parallel_loop3A_24 : vector<16xi32>
      %parallel_loop3A_26 = arith.constant 0 : i32
      %parallel_loop3A_27 = arith.constant 50 : i32
      %parallel_loop3A_28 = arith.constant 1 : i32
      scf.for %parallel_loop3A_29 = %parallel_loop3A_26 to %parallel_loop3A_27 step %parallel_loop3A_28  : i32 {
        %parallel_loop3A_30 = vector.broadcast %parallel_loop3A_29 : i32 to vector<16xi32>
        %parallel_loop3A_31 = arith.addi %parallel_loop3A_22, %parallel_loop3A_30 : vector<16xi32>
        %parallel_loop3A_32 = tpu.vector_load_idx %arg4[%parallel_loop3A_31] : memref<25600xi32, #tpu.memory_space<vmem>>[vector<16xi32>], vector<16xi32>,
        %parallel_loop3A_33 = arith.constant 31 : i32
        %parallel_loop3A_34 = vector.broadcast %parallel_loop3A_33 : i32 to vector<16xi32>
        %parallel_loop3A_35 = arith.andi %parallel_loop3A_32, %parallel_loop3A_34 : vector<16xi32>
        %parallel_loop3A_36 = arith.addi %parallel_loop3A_25, %parallel_loop3A_35 : vector<16xi32>
        tpu.vector_store_idx %arg5[%parallel_loop3A_36], %broadcast_in_dim3A_6 {add = true} : memref<65536xf32, #tpu.memory_space<vmem>>[vector<16xi32>], vector<16xf32>,
      } {sc.loop_unroll_factor = 10 : i64, sc.parallel_access}
    } {sc.loop_unroll_factor = 1 : i64, sc.parallel_access}
    %mul3A_13 = arith.constant 65536 : i32
    %mul3A_14 = arith.muli %add3A, %mul3A_13 : i32
    "tpu.region"() ({
      %run_scoped3A = tpu.sem_alloc : memref<!tpu.dma_semaphore, #tpu.memory_space<semaphore_mem>>
      %dma_start3A_15 = tpu.memref_slice %arg3[%mul3A_14] : memref<2097152xf32, #tpu.memory_space<hbm>> -> memref<65536xf32, #tpu.memory_space<hbm>>
      %dma_start3A_16 = tpu.memref_slice %arg3[%mul3A_14] : memref<2097152xf32, #tpu.memory_space<hbm>> -> memref<65536xf32, #tpu.memory_space<hbm>>
      tpu.enqueue_dma source(%arg5 : memref<65536xf32, #tpu.memory_space<vmem>>) target(%dma_start3A_16 : memref<65536xf32, #tpu.memory_space<hbm>>) target_semaphore(%run_scoped3A : memref<!tpu.dma_semaphore, #tpu.memory_space<semaphore_mem>>)
      %dma_wait3A_17 = tpu.memref_slice %arg3[%mul3A_14] : memref<2097152xf32, #tpu.memory_space<hbm>> -> memref<65536xf32, #tpu.memory_space<hbm>>
      %dma_wait3A_18 = tpu.memref_slice %arg3[%mul3A_14] : memref<2097152xf32, #tpu.memory_space<hbm>> -> memref<65536xf32, #tpu.memory_space<hbm>>
      tpu.wait_dma2 semaphore(%run_scoped3A : memref<!tpu.dma_semaphore, #tpu.memory_space<semaphore_mem>>) src(%arg5 : memref<65536xf32, #tpu.memory_space<vmem>>) dst(%dma_wait3A_18 : memref<65536xf32, #tpu.memory_space<hbm>>)
      tpu.yield
    }) : () -> ()
    return
  }
}

module attributes {stable_mosaic.version = 14 : i64} {
  func.func @_tc_matmul_body(%arg0: i32, %arg1: memref<2048x16xf32, #tpu.memory_space<vmem>>, %arg2: memref<2048x128xf32, #tpu.memory_space<vmem>>, %arg3: memref<48x128xf32, #tpu.memory_space<vmem>>, %arg4: memref<2048x128xf32, #tpu.memory_space<vmem>>, %arg5: memref<1x1xf32, #tpu.memory_space<vmem>>) attributes {dimension_semantics = [#tpu.dimension_semantics<arbitrary>], iteration_bounds = array<i64: 8>, scalar_prefetch = 0 : i64, scratch_operands = 0 : i64, tpu.core_type = #tpu.core_type<tc>, window_params = [{transform_indices = @transform_0, window_bounds = array<i64: 2048, 16>}, {transform_indices = @transform_1, window_bounds = array<i64: 2048, 128>}, {pipeline_mode = #tpu.pipeline_mode<synchronous>, transform_indices = @transform_2, window_bounds = array<i64: 48, 128>}, {transform_indices = @transform_3, window_bounds = array<i64: 2048, 128>}, {pipeline_mode = #tpu.pipeline_mode<synchronous>, transform_indices = @transform_4, window_bounds = array<i64: 1, 1>}]} {
    %get3A = arith.constant 0 : index
    %get3A_0 = arith.constant 0 : index
    %get3A_1 = vector.load %arg1[%get3A, %get3A_0] : memref<2048x16xf32, #tpu.memory_space<vmem>>, vector<2048x16xf32>
    %get3A_2 = arith.constant 0 : index
    %get3A_3 = arith.constant 0 : index
    %get3A_4 = vector.load %arg2[%get3A_2, %get3A_3] : memref<2048x128xf32, #tpu.memory_space<vmem>>, vector<2048x32xf32>
    %concatenate3A = tpu.concatenate %get3A_1, %get3A_4 in 1 : vector<2048x16xf32>, vector<2048x32xf32> -> vector<2048x48xf32>
    %get3A_5 = arith.constant 0 : index
    %get3A_6 = arith.constant 0 : index
    %get3A_7 = vector.load %arg3[%get3A_5, %get3A_6] : memref<48x128xf32, #tpu.memory_space<vmem>>, vector<48x128xf32>
    %dot_general3A = arith.constant dense<0.000000e+00> : vector<2048x128xf32>
    %dot_general3A_8 = tpu.matmul %concatenate3A, %get3A_7, %dot_general3A {dimension_numbers = #tpu.dot_dimension_numbers<[1], [0], [0], [1], [0, 0, 1, 1], [], []>, precision = #tpu.contract_precision<fp32>, transpose_lhs_hint = false} : vector<2048x48xf32>, vector<48x128xf32>, vector<2048x128xf32> -> vector<2048x128xf32>
    %swap3A = arith.constant 0 : index
    %swap3A_9 = arith.constant 0 : index
    %swap3A_10 = vector.load %arg4[%swap3A, %swap3A_9] : memref<2048x128xf32, #tpu.memory_space<vmem>>, vector<2048x128xf32>
    tpu.vector_store %arg4[%swap3A, %swap3A_9], %dot_general3A_8 {strides = array<i32>} : memref<2048x128xf32, #tpu.memory_space<vmem>>, vector<2048x128xf32>,
    %eq3A = arith.constant 0 : i32
    %eq3A_11 = arith.cmpi eq, %arg0, %eq3A : i32
    %convert_element_type3A = arith.extui %eq3A_11 : i1 to i32
    %cond3A = arith.constant 0 : i32
    %cond3A_12 = arith.cmpi ne, %convert_element_type3A, %cond3A : i32
    scf.if %cond3A_12 {
      %broadcast_in_dim3A = arith.constant 0.000000e+00 : f32
      %broadcast_in_dim3A_28 = vector.broadcast %broadcast_in_dim3A : f32 to vector<1x1xf32>
      %swap3A_29 = arith.constant 0 : index
      %swap3A_30 = arith.constant 0 : index
      %swap3A_31 = vector.load %arg5[%swap3A_29, %swap3A_30] : memref<1x1xf32, #tpu.memory_space<vmem>>, vector<1x1xf32>
      tpu.vector_store %arg5[%swap3A_29, %swap3A_30], %broadcast_in_dim3A_28 {strides = array<i32>} : memref<1x1xf32, #tpu.memory_space<vmem>>, vector<1x1xf32>,
    } else {
    }
    %get3A_13 = arith.constant 0 : index
    %get3A_14 = arith.constant 0 : index
    %get3A_15 = vector.load %arg5[%get3A_13, %get3A_14] : memref<1x1xf32, #tpu.memory_space<vmem>>, vector<1x1xf32>
    %reduce_sum3A = vector.shape_cast %dot_general3A_8 : vector<2048x128xf32> to vector<1x2048x128xf32>
    %reduce_sum3A_16 = arith.constant dense<0.000000e+00> : vector<1xf32>
    %reduce_sum3A_17 = vector.multi_reduction <add>, %reduce_sum3A, %reduce_sum3A_16 [1, 2] : vector<1x2048x128xf32> to vector<1xf32>
    %reduce_sum3A_18 = vector.shape_cast %reduce_sum3A_17 : vector<1xf32> to vector<1x1x1xf32>
    %reduce_sum3A_19 = vector.extract %reduce_sum3A_18[0, 0, 0] : f32 from vector<1x1x1xf32>
    %reshape3A = vector.broadcast %reduce_sum3A_19 : f32 to vector<1x1xf32>
    %add3A = arith.addf %get3A_15, %reshape3A : vector<1x1xf32>
    %swap3A_20 = arith.constant 0 : index
    %swap3A_21 = arith.constant 0 : index
    %swap3A_22 = vector.load %arg5[%swap3A_20, %swap3A_21] : memref<1x1xf32, #tpu.memory_space<vmem>>, vector<1x1xf32>
    tpu.vector_store %arg5[%swap3A_20, %swap3A_21], %add3A {strides = array<i32>} : memref<1x1xf32, #tpu.memory_space<vmem>>, vector<1x1xf32>,
    %eq3A_23 = arith.constant 7 : i32
    %eq3A_24 = arith.cmpi eq, %arg0, %eq3A_23 : i32
    %convert_element_type3A_25 = arith.extui %eq3A_24 : i1 to i32
    %cond3A_26 = arith.constant 0 : i32
    %cond3A_27 = arith.cmpi ne, %convert_element_type3A_25, %cond3A_26 : i32
    scf.if %cond3A_27 {
      %get3A_28 = arith.constant 0 : index
      %get3A_29 = arith.constant 0 : index
      %get3A_30 = vector.load %arg5[%get3A_28, %get3A_29] : memref<1x1xf32, #tpu.memory_space<vmem>>, vector<1x1xf32>
      %div3A = arith.constant 0x4A000000 : f32
      %div3A_31 = vector.broadcast %div3A : f32 to vector<1x1xf32>
      %div3A_32 = arith.divf %get3A_30, %div3A_31 : vector<1x1xf32>
      %swap3A_33 = arith.constant 0 : index
      %swap3A_34 = arith.constant 0 : index
      %swap3A_35 = vector.load %arg5[%swap3A_33, %swap3A_34] : memref<1x1xf32, #tpu.memory_space<vmem>>, vector<1x1xf32>
      tpu.vector_store %arg5[%swap3A_33, %swap3A_34], %div3A_32 {strides = array<i32>} : memref<1x1xf32, #tpu.memory_space<vmem>>, vector<1x1xf32>,
    } else {
    }
    return
  }
  func.func @transform_0(%arg0: i32) -> (i32, i32) {
    %c0_i32 = arith.constant 0 : i32
    %c0_i32_0 = arith.constant 0 : i32
    return %arg0, %c0_i32 : i32, i32
  }
  func.func @transform_1(%arg0: i32) -> (i32, i32) {
    %c0_i32 = arith.constant 0 : i32
    %c0_i32_0 = arith.constant 0 : i32
    return %arg0, %c0_i32 : i32, i32
  }
  func.func @transform_2(%arg0: i32) -> (i32, i32) {
    %c0_i32 = arith.constant 0 : i32
    %c0_i32_0 = arith.constant 0 : i32
    %c0_i32_1 = arith.constant 0 : i32
    return %c0_i32, %c0_i32_0 : i32, i32
  }
  func.func @transform_3(%arg0: i32) -> (i32, i32) {
    %c0_i32 = arith.constant 0 : i32
    %c0_i32_0 = arith.constant 0 : i32
    return %arg0, %c0_i32 : i32, i32
  }
  func.func @transform_4(%arg0: i32) -> (i32, i32) {
    %c0_i32 = arith.constant 0 : i32
    %c0_i32_0 = arith.constant 0 : i32
    %c0_i32_1 = arith.constant 0 : i32
    return %c0_i32, %c0_i32_0 : i32, i32
  }
}

</mosaic_0001>

<sc_bundles>
// kernel: kernel.5.cloned.1.call-start
scs
__scs_entry_jumppad:
0x0: {  	(pc) =	sbr.rel $0x88, $3  }
0x1: {  	(tag) =	ssettag $0x0;
	lr =	simm.s32 $0x1  }
0x2: {  	[smem:$0x3F9D] =	sst lr;
	_ =	strace $0xD0000000  }
0x3: {  	_ = 	snop  }
0x4: {  	_ = 	snop  }
0x5: {  	_ = 	snop  }
0x6: {  	_ = 	snop  }
0x7: {  	_ = 	snop  }
__scs_overlays_trampoline_lowered:
0x8: {  	[smem:$0x3FAC] =	sst s0  }
0x9: {  	[smem:$0x3FAD] =	sst s1  }
0xa: {  	[smem:$0x3FAE] =	sst s2  }
0xb: {  	[smem:$0x3FAF] =	sst s3  }
0xc: {  	[smem:$0x3FB0] =	sst s4  }
0xd: {  	[smem:$0x3FB1] =	sst s5  }
0xe: {  	[smem:$0x3FB2] =	sst s6  }
0xf: {  	[smem:$0x3FB3] =	sst s7  }
0x10: {  	[smem:$0x3FB4] =	sst s8  }
0x11: {  	[smem:$0x3FB5] =	sst s9;
	s0 =	simm.s32 @!p0 $0x0  }
0x12: {  	s1 =	sld [smem:$0x3F9B];
	s0 =	simm.s32 @p0 $0x1  }
0x13: {  	[smem:$0x3FB6] =	sst s0;
	s0 =	simm.s32 @!p1 $0x0  }
0x14: {  	s2 =	sld [smem:$0x3F9A];
	s0 =	simm.s32 @p1 $0x1  }
0x15: {  	[smem:$0x3FB7] =	sst s0;
	s0 =	simm.s32 @!p2 $0x0  }
0x16: {  	s3 =	sld [smem:$0x3FDB];
	s0 =	simm.s32 @p2 $0x1  }
0x17: {  	s4 =	simm.s32 $0x1BF5;
	[smem:$0x3FB9] =	sst s0  }
0x18: {  	s0 =	sld [smem:$0x3F9C];
	_ =	swait.ge [sflag:s4], $0x0  }
0x19: {  	s7 =	sld [smem:$0x3F9D]  }
0x1a: {  	s8 =	sadd.s32 $0xFFFFE003, lr  }
0x1b: {  	s9 =	sadd.s32 $0xFFFFFEF7, lr;
	s5 =	simm.s32 $0xFFFFFFFF;
	p2 =	slt.u32 s8, $0xFFFFF086  }
0x1c: {  	p1 =	slt.u32 s9, $0xF7A;
	s5 =	simm.s32 @!p2 $0x0  }
0x1d: {  	s5 =	simm.s32 @p1 $0x1;
	p0 =	seq.s32 s7, s2  }
0x1e: {  	s7 =	smul.u32 @!p0 $0xF7A, s2;
	p2 =	seq.s32 @!p0 s5, $0x0  }
0x1f: {  	s9 =	smul.u32 $0xF7A, s1;
	s8 =	simm.s32 @!p0 $0x1BF5;
	p2 =	por !p2, p0  }
0x20: {  	[sflag:s8] =	ssyncset.s32 @!p0 $0xFFFFF086;
	s6 =	sadd.s32 @!p0 s3, s7;
	s7 =	simm.s32 @!p0 $0x108  }
0x21: {  	s3 =	sadd.s32 s3, s9;
	s6 =	sadd.s32 @!p0 $0x88, s6;
	s7 =	simm.s32 @p2 $0x1082  }
0x22: {  	[simem:s7], [sflag:s8] =	dma.local @!p0 [hbm:s6], $0xF7A  }
0x23: {  	s9 =	sor.u32 $0xD0000000, s2;
	s6 =	simm.s32 $0x108;
	_ =	swait.ge @!p0 [sflag:s8], $0x0  }
0x24: {  	s3 =	sadd.s32 $0x88, s3;
	s6 =	simm.s32 @!p1 $0x1082;
	[sflag:s4] =	ssyncset.s32 $0xFFFFF086  }
0x25: {  	[simem:s6], [sflag:s4] =	dma.local [hbm:s3], $0xF7A  }
0x26: {  	[smem:$0x3F9D] =	sst s1;
	(tag) =	ssettag s2;
	_ =	strace s9  }
0x27: {  	s1 =	sld [smem:$0x3FAD]  }
0x28: {  	s2 =	sld [smem:$0x3FAE]  }
0x29: {  	s4 =	sld [smem:$0x3FB0]  }
0x2a: {  	p0 =	seq.s32 s5, $0x0;
	s5 =	sld [smem:$0x3FB1]  }
0x2b: {  	s6 =	sld [smem:$0x3FB2]  }
0x2c: {  	s7 =	sld [smem:$0x3FB3]  }
0x2d: {  	s3 =	simm.s32 $0x108;
	s8 =	sld [smem:$0x3FB4]  }
0x2e: {  	s3 =	simm.s32 @!p0 $0x1082;
	s9 =	sld [smem:$0x3FB5]  }
0x2f: {  	lr =	sadd.s32 s0, s3;
	s0 =	sld [smem:$0x3FAC]  }
0x30: {  	s3 =	sld [smem:$0x3FAF]  }
0x31: {  	[smem:$0x3FB8] =	sst s10  }
0x32: {  	s10 =	sld [smem:$0x3FB6];
	_ =	sdelay $0x3  }
0x33: {  	p0 =	seq.s32 s10, $0x1;
	s10 =	sld [smem:$0x3FB8];
	_ =	sdelay $0x3  }
0x34: {  	[smem:$0x3FB8] =	sst s10  }
0x35: {  	s10 =	sld [smem:$0x3FB7];
	_ =	sdelay $0x3  }
0x36: {  	p1 =	seq.s32 s10, $0x1;
	s10 =	sld [smem:$0x3FB8];
	_ =	sdelay $0x3  }
0x37: {  	[smem:$0x3FB8] =	sst s10  }
0x38: {  	s10 =	sld [smem:$0x3FB9]  }
0x39: {  	_ = 	snop;
	(pc) =	sbr.ind lr, $3  }
0x3a: {  	_ = 	snop  }
0x3b: {  	_ = 	snop  }
0x3c: {  	p2 =	seq.s32 s10, $0x1;
	s10 =	sld [smem:$0x3FB8]  }
0x3d: {  	_ =	shalt  }
0x3e: {  	_ =	shalt  }
0x3f: {  	_ =	shalt  }
0x40: {  	_ =	shalt  }
0x41: {  	_ =	shalt  }
0x42: {  	_ =	shalt  }
0x43: {  	_ =	shalt  }
0x44: {  	_ =	shalt  }
0x45: {  	_ =	shalt  }
0x46: {  	_ =	shalt  }
0x47: {  	_ =	shalt  }
0x48: {  	_ =	shalt  }
0x49: {  	_ =	shalt  }
0x4a: {  	_ =	shalt  }
0x4b: {  	_ =	shalt  }
0x4c: {  	_ =	shalt  }
0x4d: {  	_ =	shalt  }
0x4e: {  	_ =	shalt  }
0x4f: {  	_ =	shalt  }
0x50: {  	_ =	shalt  }
0x51: {  	_ =	shalt  }
0x52: {  	_ =	shalt  }
0x53: {  	_ =	shalt  }
0x54: {  	_ =	shalt  }
0x55: {  	_ =	shalt  }
0x56: {  	_ =	shalt  }
0x57: {  	_ =	shalt  }
0x58: {  	_ =	shalt  }
0x59: {  	_ =	shalt  }
0x5a: {  	_ =	shalt  }
0x5b: {  	_ =	shalt  }
0x5c: {  	_ =	shalt  }
0x5d: {  	_ =	shalt  }
0x5e: {  	_ =	shalt  }
0x5f: {  	_ =	shalt  }
0x60: {  	_ =	shalt  }
0x61: {  	_ =	shalt  }
0x62: {  	_ =	shalt  }
0x63: {  	_ =	shalt  }
0x64: {  	_ =	shalt  }
0x65: {  	_ =	shalt  }
0x66: {  	_ =	shalt  }
0x67: {  	_ =	shalt  }
0x68: {  	_ =	shalt  }
0x69: {  	_ =	shalt  }
0x6a: {  	_ =	shalt  }
0x6b: {  	_ =	shalt  }
0x6c: {  	_ =	shalt  }
0x6d: {  	_ =	shalt  }
0x6e: {  	_ =	shalt  }
0x6f: {  	_ =	shalt  }
0x70: {  	_ =	shalt  }
0x71: {  	_ =	shalt  }
0x72: {  	_ =	shalt  }
0x73: {  	_ =	shalt  }
0x74: {  	_ =	shalt  }
0x75: {  	_ =	shalt  }
0x76: {  	_ =	shalt  }
0x77: {  	_ =	shalt  }
0x78: {  	_ =	shalt  }
0x79: {  	_ =	shalt  }
0x7a: {  	_ =	shalt  }
0x7b: {  	_ =	shalt  }
0x7c: {  	_ =	shalt  }
0x7d: {  	_ =	shalt  }
0x7e: {  	_ =	shalt  }
0x7f: {  	_ =	shalt  }
0x80: {  	_ =	shalt  }
0x81: {  	_ =	shalt  }
0x82: {  	_ =	shalt  }
0x83: {  	_ =	shalt  }
0x84: {  	_ =	shalt  }
0x85: {  	_ =	shalt  }
0x86: {  	_ =	shalt  }
0x87: {  	_ =	shalt  }
.Lfunc_end0:
.L_simem_size_0:
called_computation_lowered:
.L_overlay_start_0:
0x88: {  	s2 =	sld [smem:$0x3FD9]  }
0x89: {  	s3 =	sld [smem:$0x3FFE];
	_ =	sdelay $0x1  }
0x8a: {  	s1 =	srdreg.scid  }
0x8b: {  	s0 =	sand.u32 $0x1, s1  }
0x8c: {  	s14 =	sshll.u32 s0, $0xA;
	s2 =	sadd.s32 s3, s2  }
0x8d: {  	s2 =	sadd.s32 s2, s14  }
0x8e: {  	[smem:$0x3FC4] =	sst s2  }
0x8f: {  	_ = 	snop  }
0x90: {  	s2 =	sld [smem:$0x3FD0];
	_ =	sdelay $0x2  }
0x91: {  	s15 =	simm.s32 $0xB;
	s4 =	simm.s32 $0x10  }
0x92: {  	[smem:s4], [sflag:s15] =	dma.local [hbm:s2], $0x1  }
0x93: {  	_ =	swait.eq [sflag:s15], $0x1  }
0x94: {  	[sflag:s15] =	ssyncset.done $0x0  }
0x95: {  	[sflag:s15] =	ssyncadd.s32 $0xFFFFFFFF  }
0x96: {  	s16 =	sld [smem:$0x11];
	(tm) =	ssettm $0x1  }
0x97: {  	s17 =	sld [smem:$0x3FFB];
	_ =	sdelay $0x3  }
0x98: {  	_ =	strace s17  }
0x99: {  	s3 =	sld [smem:$0x3FFC];
	_ =	sdelay $0x3  }
0x9a: {  	_ =	strace s3  }
0x9b: {  	s3 =	sld [smem:$0x3FFD];
	_ =	sdelay $0x3  }
0x9c: {  	_ =	strace s3  }
0x9d: {  	_ =	strace $0x8FFFFFFF  }
0x9e: {  	s18 =	sld [smem:$0x3FDB];
	_ =	sdelay $0x1  }
0x9f: {  	s19 =	simm.s32 $_scs_section_size  }
0xa0: {  	s5 =	simm.s32 $_size__tile_overlayer_lowered;
	s6 =	simm.s32 $_tile_overlayer_lowered  }
0xa1: {  	s22 =	simm.s32 $0x1BFF;
	s21 =	sshll.u32 s6, $0x1;
	s3 =	sadd.s32 s19, s18  }
0xa2: {  	s7 =	simm.s32 $0x0;
	s20 =	sshll.u32 s5, $0x1;
	s5 =	sadd.s32 s21, s3  }
0xa3: {  	[timem:s7], [sflag:s22] =	dma.local [hbm:s5], s20  }
0xa4: {  	_ =	swait.ge [sflag:s22], s20  }
0xa5: {  	s4 =	ssub.s32 $0x0, s20;
	[sflag:s22] =	ssyncset.done $0x0  }
0xa6: {  	[sflag:s22] =	ssyncadd.s32 s4;
	_ =	sdelay $0x1  }
0xa7: {  	s23 =	simm.s32 $0x1B8B  }
0xa8: {  	_ =	swait.ge [sflag:s23], $0x1  }
0xa9: {  	[sflag:s23] =	ssyncset.done $0x0  }
0xaa: {  	s25 =	simm.s32 $0x1B8E;
	s24 =	sld [smem:$0x3FFE];
	[sflag:s23] =	ssyncadd.s32 $0xFFFFFFFF  }
0xab: {  	s26 =	simm.s32 $execute0_lowered;
	[smem:$0x3FD2] =	sst s25  }
0xac: {  	s5 =	sshll.u32 s26, $0x1;
	_ =	strace $0x80000046;
	[dreg:$0x1] =	wrdreg $0xFFFFFFFF  }
0xad: {  	s28 =	simm.s32 $_size_execute0_lowered;
	s3 =	sadd.s32 s3, s5;
	[dreg:$0x0] =	wrdreg $0x0  }
0xae: {  	s5 =	sshll.u32 s28, $0x1;
	[dreg:$0x2] =	wrdreg s3  }
0xaf: {  	[dreg:$0x3] =	wrdreg s5  }
0xb0: {  	[dreg:$0x4] =	wrdreg $0xC0  }
0xb1: {  	_ =	task [dreg:s7], $0x5FFFF  }
0xb2: {  	[dreg:$0x1] =	wrdreg $0xFFFFFFFF  }
0xb3: {  	[dreg:$0x0] =	wrdreg $0x60  }
0xb4: {  	[dreg:$0x2] =	wrdreg s16  }
0xb5: {  	[dreg:$0x3] =	wrdreg s24  }
0xb6: {  	[dreg:$0x4] =	wrdreg $0x9  }
0xb7: {  	_ =	task.clear_ibuf [dreg:s7], $0x5FFFF;
	_ =	strace $0x90000046  }
0xb8: {  	s29 =	simm.s32 $0x9;
	_ =	strace $0x80000048  }
0xb9: {  	_ =	swait.ge [sflag:s29], $0x1  }
0xba: {  	[sflag:s29] =	ssyncadd.s32 $0xFFFFFFFF  }
0xbb: {  	_ =	strace $0x90000048  }
0xbc: {  	_ =	sfence  }
0xbd: {  	s30 =	sld [smem:$0x0];
	_ =	sdelay $0x2  }
0xbe: {  	s31 =	sshll.u32 s1, $0xD;
	s1 =	sshrl.u32 s1, $0x2  }
0xbf: {  	s3 =	sand.u32 $0x4000, s31;
	s1 =	sadd.s32 s1, s30  }
0xc0: {  	s0 =	sor.u32 s3, s0;
	s1 =	sshll.u32 s1, $0x11  }
0xc1: {  	s0 =	sor.u32 s1, s0  }
0xc2: {  	s0 =	sadd.s32 $0x8F2B, s0  }
0xc3: {  	[sflag:s0] =	ssyncadd.remote.s32 $0x1  }
0xc4: {  	_ =	sfence.sel $0xFFFF  }
0xc5: {  	[dreg:$0x0] =	wrdreg $0xFFFFFFFF;
	(pc) =	sbr.abs _section_cstart, $3  }
0xc6: {  	[dreg:$0x1] =	wrdreg $0xFFFFFFFF  }
0xc7: {  	_ =	task.clear_ibuf [dreg:s7], $0x2FFFF;
	_ =	strace $0x9FFFFFFF  }
0xc8: {  	(tm) =	ssettm $0x7FFFFFFF  }
0xc9: {  	_ =	shalt  }
tec
execute0_lowered:
.L_overlay_start_1:
0x0: {  	(tag) =	ssettag $0x1  }
0x1: {  	s3 =	rddreg [dreg:$0x0]  }
0x2: {  	s4 =	rddreg [dreg:$0x1]  }
0x3: {  	s0 =	rddreg [dreg:$0x2]  }
0x4: {  	s2 =	simm.s32 $0x0;
	s5 =	srdreg.scid;
	s1 =	stileid.u32  }
0x5: {  	s9 =	simm.s32 $0x0;
	s5 =	sand.u32 $0x1, s5;
	s6 =	sshll.u32 s1, $0x1  }
0x6: {  	[smem:$0x7FF] =	sst s2;
	s6 =	sor.u32 s5, s6;
	s5 =	ssub.s32 $0x2, s5  }
0x7: {  	_ =	strace $0x80000047;
	s7 =	sshll.u32 s6, $0xA;
	s8 =	sshrl.u32 s5, $0x1  }
0x8: {  	s6 =	sshll.u32 s6, $0xD;
	s4 =	sadd.s32 s7, s4;
	s5 =	ssub.s32 s5, s8  }
0x9: {  	s3 =	sadd.s32 s3, s6;
	s6 =	simm.s32 $0x1;
	s7 =	simm.s32 $0x10000  }
0xa: {  	v0 =	vimm.f32 $0.0e+00;
	v1 =	vlaneseq.u32;
	v2 =	vimm.f32 $1.000000000e+00;
	s8 =	simm.s32 $0x2;
	s4 =	sadd.s32 $0x1200, s4;
	s5 =	smax.u32 s5, $0x1  }
.LBB2_1:
0xb: {  	[tilespmem:s2], [sflag:$0x1] =	stream.linear.gather [hbm4b:s3+s2], $0x10000, $0x38;
	[tilespmem:$0x12000] =	vst v63  }
0xc: {  	s10 =	simm.s32 $0x10040  }
0xd: {  	[tilespmem:s10+$0xFFFFFFC0] =	vst v0  }
0xe: {  	[tilespmem:s10+$0x30] =	vst v0  }
0xf: {  	[tilespmem:s10+$0x20] =	vst v0  }
0x10: {  	[tilespmem:s10+$0x10] =	vst v0  }
0x11: {  	[tilespmem:s10+$0x0] =	vst v0  }
0x12: {  	[tilespmem:s10+$0xFFFFFFF0] =	vst v0  }
0x13: {  	s11 =	simm.s32 $0x0;
	[tilespmem:s10+$0xFFFFFFE0] =	vst v0  }
.LBB2_2:
0x14: {  	s11 =	sadd.s32 $0x8, s11;
	[tilespmem:s10+$0xFFFFFFD0] =	vst v0;
	s10 =	sadd.s32 $0x80, s10  }
0x15: {  	[tilespmem:s10+$0xFFFFFFC0] =	vst v0;
	p0 =	slt.u32 s11, $0x1F8  }
0x16: {  	[tilespmem:s10+$0x30] =	vst v0  }
.Ltmp0:
0x17: {  	[tilespmem:s10+$0x20] =	vst v0;
	(pc) =	sbr.rel @p0 .LBB2_2-.Ltmp0, $4  }
0x18: {  	[tilespmem:s10+$0x10] =	vst v0  }
0x19: {  	[tilespmem:s10+$0x0] =	vst v0  }
0x1a: {  	[tilespmem:s10+$0xFFFFFFF0] =	vst v0  }
0x1b: {  	[tilespmem:s10+$0xFFFFFFE0] =	vst v0  }
0x1c: {  	[tilespmem:s10+$0xFFFFFFD0] =	vst v0  }
0x1d: {  	_ =	swait.ge [sflag:s6], $0x10000  }
0x1e: {  	[sflag:s6] =	ssyncset.done $0x0  }
0x1f: {  	s10 =	simm.s32 $0x0;
	s11 =	simm.s32 $0x0;
	[sflag:s6] =	ssyncadd.s32 $0xFFFF0000  }
.LBB2_4:
0x20: {  	s12 =	simm.s32 $0x7  }
0x21: {  	s14 =	sshll.u32 s11, $0x4;
	s13 =	simm.s32 $0x1;
	s16 =	simm.s32 $0x4;
	v14 =	vmov s10;
	v3 =	vmov s12  }
0x22: {  	s17 =	simm.s32 $0x6;
	s18 =	simm.s32 $0x5;
	s19 =	simm.s32 $0x3;
	v5 =	vor.u32 s14, v1;
	v7 =	vmov s13;
	v9 =	vmov s16  }
0x23: {  	s20 =	simm.s32 $0x9;
	v10 =	vmov s17;
	v11 =	vmov s18;
	v12 =	vmov s19  }
0x24: {  	s15 =	simm.s32 $0x8;
	v13 =	vmov s20;
	v3 =	vand.u32 $0x7F, v3;
	v4 =	vshll.u32 v5, $0x7  }
0x25: {  	s21 =	simm.s32 $0xB;
	v6 =	vbroadcast v3, $0x0;
	v3 =	vshll.u32 v5, $0x4;
	v5 =	vmov s15  }
0x26: {  	s22 =	simm.s32 $0xC;
	s23 =	simm.s32 $0xE;
	v14 =	vand.u32 $0x7E, v14;
	v15 =	vmov s21;
	v5 =	vand.u32 $0x7E, v5  }
0x27: {  	s24 =	simm.s32 $0xF;
	s25 =	simm.s32 $0x11;
	s26 =	simm.s32 $0x12;
	v16 =	vmov s22;
	v17 =	vmov s23;
	v5 =	vbroadcast v5, $0x0  }
0x28: {  	s28 =	simm.s32 $0x10;
	v18 =	vmov s24;
	v19 =	vmov s25;
	v20 =	vmov s26  }
0x29: {  	s14 =	simm.s32 $0x2;
	v21 =	vmov s28;
	v13 =	vand.u32 $0x7F, v13;
	v5 =	vor.u32 v4, v5  }
0x2a: {  	v8 =	vmov s14;
	v12 =	vand.u32 $0x7F, v12;
	v13 =	vbroadcast v13, $0x0  }
0x2b: {  	v9 =	vand.u32 $0x7E, v9;
	v12 =	vbroadcast v12, $0x0;
	v6 =	vor.u32 v4, v6  }
0x2c: {  	v10 =	vand.u32 $0x7E, v10;
	v7 =	vand.u32 $0x7F, v7;
	v13 =	vor.u32 v4, v13  }
0x2d: {  	v11 =	vand.u32 $0x7F, v11;
	v7 =	vbroadcast v7, $0x0;
	v12 =	vor.u32 v4, v12  }
0x2e: {  	v17 =	vand.u32 $0x7E, v17;
	v19 =	vand.u32 $0x7F, v19;
	v9 =	vbroadcast v9, $0x0;
	v5 =	vld.idx.msk [tilespmem:v5+s2+$0x0], $0xffff  }
0x2f: {  	v20 =	vand.u32 $0x7E, v20;
	v10 =	vbroadcast v10, $0x0;
	v7 =	vor.u32 v4, v7  }
0x30: {  	v8 =	vand.u32 $0x7E, v8;
	v11 =	vbroadcast v11, $0x0;
	v9 =	vor.u32 v4, v9;
	v6 =	vld.idx.msk [tilespmem:v6+s2+$0x0], $0xffff  }
0x31: {  	v14 =	vbroadcast v14, $0x0;
	v8 =	vbroadcast v8, $0x0;
	v10 =	vor.u32 v4, v10;
	v13 =	vld.idx.msk [tilespmem:v13+s2+$0x0], $0xffff  }
0x32: {  	v18 =	vand.u32 $0x7F, v18;
	v19 =	vbroadcast v19, $0x0;
	v11 =	vor.u32 v4, v11;
	v12 =	vld.idx.msk [tilespmem:v12+s2+$0x0], $0xffff  }
0x33: {  	v20 =	vbroadcast v20, $0x0;
	v8 =	vor.u32 v4, v8;
	v5 =	vand.u32 $0xF, v5  }
0x34: {  	v21 =	vand.u32 $0x7E, v21;
	v23 =	vbroadcast v18, $0x0;
	v7 =	vld.idx.msk [tilespmem:v7+s2+$0x0], $0xffff;
	v22 =	vor.u32 v3, v5  }
0x35: {  	v14 =	vor.u32 v4, v14;
	v19 =	vor.u32 v4, v19;
	v18 =	vor.u32 v4, v20;
	v20 =	vld.idx.msk [tilespmem:v9+s2+$0x0], $0xffff  }
0x36: {  	s30 =	simm.s32 $0x13;
	v10 =	vld.idx.msk [tilespmem:v10+s2+$0x0], $0xffff;
	v6 =	vand.u32 $0xF, v6;
	v9 =	vand.u32 $0xF, v13;
	v13 =	vand.u32 $0x7F, v15  }
0x37: {  	v26 =	vld.idx.msk [tilespmem:v11+s2+$0x0], $0xffff;
	v15 =	vand.u32 $0x7E, v16;
	v16 =	vmov s30;
	v12 =	vand.u32 $0xF, v12  }
0x38: {  	s29 =	simm.s32 $0xD;
	v8 =	vld.idx.msk [tilespmem:v8+s2+$0x0], $0xffff;
	v6 =	vor.u32 v3, v6;
	v13 =	vbroadcast v13, $0x0;
	v16 =	vand.u32 $0x7F, v16  }
0x39: {  	v24 =	vor.u32 v3, v9;
	v5 =	vbroadcast v21, $0x0;
	v21 =	vmov s29;
	[tilespmem:v22+s7+$0x0] =	vst.idx.add.f32.msk $0xffff, v2  }
0x3a: {  	v9 =	vbroadcast v15, $0x0;
	v21 =	vand.u32 $0x7F, v21;
	v22 =	vld.idx.msk [tilespmem:v19+s2+$0x0], $0xffff;
	v19 =	vbroadcast v16, $0x0  }
0x3b: {  	v7 =	vand.u32 $0xF, v7;
	v25 =	vor.u32 v4, v13;
	v21 =	vbroadcast v21, $0x0  }
0x3c: {  	v11 =	vld.idx.msk [tilespmem:v18+s2+$0x0], $0xffff;
	v15 =	vor.u32 v3, v7;
	v9 =	vor.u32 v4, v9;
	v27 =	vor.u32 v4, v19  }
0x3d: {  	v13 =	vld.idx.msk [tilespmem:v14+s2+$0x0], $0xffff;
	v14 =	vor.u32 v3, v12;
	v5 =	vor.u32 v4, v5;
	v16 =	vor.u32 v4, v21  }
0x3e: {  	[tilespmem:v6+s7+$0x0] =	vst.idx.add.f32.msk $0xffff, v2;
	v21 =	vand.u32 $0xF, v8;
	v8 =	vand.u32 $0xF, v20;
	v20 =	vand.u32 $0xF, v26  }
0x3f: {  	[tilespmem:v24+s7+$0x0] =	vst.idx.add.f32.msk $0xffff, v2;
	v18 =	vor.u32 v3, v8;
	v8 =	vand.u32 $0xF, v10;
	v19 =	vbroadcast v17, $0x0  }
0x40: {  	s31 =	simm.s32 $0xA;
	v6 =	vld.idx.msk [tilespmem:v25+s2+$0x0], $0xffff;
	v12 =	vor.u32 v3, v8;
	v8 =	vor.u32 v4, v23;
	v7 =	vand.u32 $0xF, v22  }
0x41: {  	s14 =	simm.s32 $0x14;
	v17 =	vor.u32 v3, v21;
	v21 =	vmov s31;
	v7 =	vor.u32 v3, v7;
	v10 =	vld.idx.msk [tilespmem:v27+s2+$0x0], $0xffff  }
.LBB2_5:
0x42: {  	s13 =	sadd.s32 $0x1, s14  }
0x43: {  	s15 =	sadd.s32 $0x2, s14;
	s16 =	sadd.s32 $0x3, s14;
	v21 =	vand.u32 $0x7E, v21;
	v16 =	vld.idx.msk [tilespmem:v16+s2+$0x0], $0xffff;
	v19 =	vor.u32 v4, v19;
	v13 =	vand.u32 $0xF, v13;
	s12 =	smov.u32 s14  }
0x44: {  	s17 =	sadd.s32 $0x6, s14;
	v22 =	vmov s13;
	v23 =	vmov s15;
	s13 =	sadd.s32 $0x4, s14;
	s15 =	sadd.s32 $0x5, s14;
	[tilespmem:v18+s7+$0x0] =	vst.idx.add.f32.msk $0xffff, v2;
	v18 =	vor.u32 v3, v20  }
0x45: {  	v11 =	vand.u32 $0xF, v11;
	s18 =	sadd.s32 $0x8, s12;
	v20 =	vmov s13;
	v24 =	vmov s15;
	s15 =	sadd.s32 $0x7, s12;
	s13 =	sadd.s32 $0xA, s14;
	[tilespmem:v14+s7+$0x0] =	vst.idx.add.f32.msk $0xffff, v2  }
0x46: {  	p0 =	slt.u32 s14, $0x28;
	v13 =	vor.u32 v3, v13;
	v25 =	vmov s18;
	v14 =	vmov s15;
	[tilespmem:v15+s7+$0x0] =	vst.idx.add.f32.msk $0xffff, v2  }
0x47: {  	v15 =	vand.u32 $0x7E, v20;
	v20 =	vmov s17;
	v14 =	vand.u32 $0x7F, v14;
	[tilespmem:v17+s7+$0x0] =	vst.idx.add.f32.msk $0xffff, v2  }
0x48: {  	v21 =	vbroadcast v21, $0x0;
	v17 =	vand.u32 $0x7E, v25;
	v14 =	vbroadcast v14, $0x0;
	[tilespmem:v12+s7+$0x0] =	vst.idx.add.f32.msk $0xffff, v2  }
0x49: {  	v11 =	vor.u32 v3, v11;
	v20 =	vand.u32 $0x7E, v20;
	v12 =	vand.u32 $0x7F, v24;
	[tilespmem:v18+s7+$0x0] =	vst.idx.add.f32.msk $0xffff, v2  }
0x4a: {  	v17 =	vbroadcast v17, $0x0;
	v18 =	vbroadcast v20, $0x0;
	v14 =	vor.u32 v4, v14;
	v9 =	vld.idx.msk [tilespmem:v9+s2+$0x0], $0xffff  }
0x4b: {  	v20 =	vmov s16;
	v24 =	vbroadcast v12, $0x0;
	v12 =	vor.u32 v4, v21;
	[tilespmem:v13+s7+$0x0] =	vst.idx.add.f32.msk $0xffff, v2  }
0x4c: {  	s14 =	sadd.s32 $0x9, s12;
	v10 =	vand.u32 $0xF, v10;
	v17 =	vor.u32 v4, v17;
	v13 =	vor.u32 v4, v18;
	v18 =	vld.idx.msk [tilespmem:v19+s2+$0x0], $0xffff  }
0x4d: {  	v21 =	vand.u32 $0x7E, v23;
	v19 =	vand.u32 $0x7F, v22;
	v22 =	vmov s14;
	v23 =	vld.idx.msk [tilespmem:v5+s2+$0x0], $0xffff;
	v5 =	vmovc v13  }
0x4e: {  	v13 =	vbroadcast v19, $0x0;
	v19 =	vand.u32 $0x7F, v20;
	v20 =	vand.u32 $0x7F, v22;
	[tilespmem:v11+s7+$0x0] =	vst.idx.add.f32.msk $0xffff, v2  }
0x4f: {  	v10 =	vor.u32 v3, v10;
	v11 =	vbroadcast v19, $0x0;
	v22 =	vld.idx.msk [tilespmem:v14+s2+$0x0], $0xffff;
	v14 =	vbroadcast v20, $0x0  }
0x50: {  	v19 =	vbroadcast v21, $0x0;
	v21 =	vand.u32 $0xF, v16;
	v20 =	vor.u32 v4, v13;
	v25 =	vld.idx.msk [tilespmem:v8+s2+$0x0], $0xffff  }
0x51: {  	v27 =	vand.u32 $0xF, v9;
	v16 =	vor.u32 v4, v11;
	v26 =	vor.u32 v4, v14;
	v13 =	vld.idx.msk [tilespmem:v12+s2+$0x0], $0xffff  }
.Ltmp1:
0x52: {  	v6 =	vand.u32 $0xF, v6;
	v9 =	vor.u32 v4, v19;
	v8 =	vand.u32 $0xF, v18;
	v11 =	vld.idx.msk [tilespmem:v17+s2+$0x0], $0xffff;
	(pc) =	sbr.rel @p0 .LBB2_5-.Ltmp1, $4  }
0x53: {  	v14 =	vor.u32 v3, v21;
	v18 =	vor.u32 v3, v8;
	v8 =	vand.u32 $0xF, v23;
	[tilespmem:v7+s7+$0x0] =	vst.idx.add.f32.msk $0xffff, v2  }
0x54: {  	v19 =	vbroadcast v15, $0x0;
	v15 =	vor.u32 v3, v6;
	v12 =	vor.u32 v3, v8;
	[tilespmem:v10+s7+$0x0] =	vst.idx.add.f32.msk $0xffff, v2  }
0x55: {  	v17 =	vor.u32 v3, v27;
	v8 =	vor.u32 v4, v24;
	v7 =	vand.u32 $0xF, v22;
	v6 =	vld.idx.msk [tilespmem:v20+s2+$0x0], $0xffff  }
0x56: {  	s14 =	smov.u32 s13;
	v21 =	vmov s12;
	v7 =	vor.u32 v3, v7;
	v20 =	vand.u32 $0xF, v25;
	v10 =	vld.idx.msk [tilespmem:v26+s2+$0x0], $0xffff  }
0x57: {  	_ =	sdelay $0x3  }
0x58: {  	v16 =	vld.idx.msk [tilespmem:v16+s2+$0x0], $0xffff  }
0x59: {  	[tilespmem:v18+s7+$0x0] =	vst.idx.add.f32.msk $0xffff, v2  }
0x5a: {  	[tilespmem:v14+s7+$0x0] =	vst.idx.add.f32.msk $0xffff, v2  }
0x5b: {  	v56 =	vand.u32 $0x7E, v21;
	[tilespmem:v15+s7+$0x0] =	vst.idx.add.f32.msk $0xffff, v2  }
0x5c: {  	[tilespmem:v17+s7+$0x0] =	vst.idx.add.f32.msk $0xffff, v2;
	v14 =	vbroadcast v56, $0x0  }
0x5d: {  	v19 =	vor.u32 v4, v19;
	[tilespmem:v12+s7+$0x0] =	vst.idx.add.f32.msk $0xffff, v2  }
0x5e: {  	v9 =	vld.idx.msk [tilespmem:v9+s2+$0x0], $0xffff;
	v58 =	vor.u32 v4, v14  }
0x5f: {  	v55 =	vor.u32 v3, v20;
	v13 =	vand.u32 $0xF, v13;
	v5 =	vld.idx.msk [tilespmem:v5+s2+$0x0], $0xffff  }
0x60: {  	v11 =	vand.u32 $0xF, v11;
	v8 =	vld.idx.msk [tilespmem:v8+s2+$0x0], $0xffff;
	v59 =	vor.u32 v3, v13  }
0x61: {  	[tilespmem:v7+s7+$0x0] =	vst.idx.add.f32.msk $0xffff, v2;
	v11 =	vor.u32 v3, v11;
	v6 =	vand.u32 $0xF, v6  }
0x62: {  	v10 =	vand.u32 $0xF, v10;
	v6 =	vor.u32 v3, v6;
	v57 =	vld.idx.msk [tilespmem:v19+s2+$0x0], $0xffff  }
0x63: {  	v10 =	vor.u32 v3, v10;
	v61 =	vand.u32 $0xF, v16;
	v4 =	vld.idx.msk [tilespmem:v58+s2+$0x0], $0xffff  }
0x64: {  	[tilespmem:v55+s7+$0x0] =	vst.idx.add.f32.msk $0xffff, v2;
	v9 =	vand.u32 $0xF, v9;
	v62 =	vor.u32 v3, v61  }
0x65: {  	v5 =	vand.u32 $0xF, v5;
	[tilespmem:v59+s7+$0x0] =	vst.idx.add.f32.msk $0xffff, v2;
	v63 =	vor.u32 v3, v9  }
0x66: {  	v8 =	vand.u32 $0xF, v8;
	[tilespmem:v11+s7+$0x0] =	vst.idx.add.f32.msk $0xffff, v2;
	v5 =	vor.u32 v3, v5  }
0x67: {  	v8 =	vor.u32 v3, v8;
	[tilespmem:v6+s7+$0x0] =	vst.idx.add.f32.msk $0xffff, v2;
	v60 =	vand.u32 $0xF, v57  }
0x68: {  	s11 =	sadd.s32 $0x1, s11;
	[tilespmem:v10+s7+$0x0] =	vst.idx.add.f32.msk $0xffff, v2;
	v13 =	vor.u32 v3, v60;
	v4 =	vand.u32 $0xF, v4  }
0x69: {  	p0 =	sne.s32 s11, $0x20;
	[tilespmem:v62+s7+$0x0] =	vst.idx.add.f32.msk $0xffff, v2;
	v3 =	vor.u32 v3, v4  }
.Ltmp2:
0x6a: {  	[tilespmem:v63+s7+$0x0] =	vst.idx.add.f32.msk $0xffff, v2;
	(pc) =	sbr.rel @p0 .LBB2_4-.Ltmp2, $4  }
0x6b: {  	[tilespmem:v5+s7+$0x0] =	vst.idx.add.f32.msk $0xffff, v2  }
0x6c: {  	[tilespmem:v8+s7+$0x0] =	vst.idx.add.f32.msk $0xffff, v2  }
0x6d: {  	[tilespmem:v13+s7+$0x0] =	vst.idx.add.f32.msk $0xffff, v2  }
0x6e: {  	[tilespmem:v3+s7+$0x0] =	vst.idx.add.f32.msk $0xffff, v2  }
0x6f: {  	s9 =	sadd.s32 $0x1, s9  }
0x70: {  	p0 =	sne.s32 s9, s5  }
.Ltmp3:
0x71: {  	_ = 	snop;
	(pc) =	sbr.rel @p0 .LBB2_1-.Ltmp3, $4  }
0x72: {  	[hbm4b:s4+s2] =	stream.linear.scatter [tilespmem:s7], [sflag:$0x2], $0x2000, $0x38;
	[tilespmem:$0x12000] =	vst v63  }
0x73: {  	_ =	swait.ge [sflag:s8], $0x2000  }
0x74: {  	[sflag:s8] =	ssyncset.done $0x0  }
0x75: {  	[sflag:s8] =	ssyncadd.s32 $0xFFFFE000  }
0x76: {  	_ =	sfence.sel $0x180000  }
0x77: {  	[bflag:$0x0] =	sbarrier.arrive $0xFFFF  }
0x78: {  	p0 =	sne.s32 s1, $0x0;
	_ =	strace $0x90000047  }
0x79: {  	s0 =	sadd.s32 @!p0 $0x100000, s0;
	[bflag:$0x2] =	sbarrier.arrive $0xFFFF  }
0x7a: {  	[sflag:s0] =	ssyncadd.tile.s32 @!p0 $0x1;
	_ =	shalt  }
.Lfunc_end2:
_tile_overlayer_lowered:
.L_overlay_start_2:
0x7b: {  	(tag) =	ssettag $0x2  }
0x7c: {  	s0 =	rddreg [dreg:$0x0];
	s2 =	stileid.u32  }
0x7d: {  	s1 =	rddreg [dreg:$0x1];
	p0 =	sne.s32 s2, $0x0  }
0x7e: {  	s3 =	rddreg [dreg:$0x2];
	[bflag:$0x3] =	sbarrier.arrive $0xFFFF;
	s2 =	simm.s32 @!p0 $0x1C02  }
0x7f: {  	[timem:s3], [sflag:s2] =	dma.local @!p0 [hbm:s0], s1  }
0x80: {  	s0 =	simm.s32 @!p0 $0x2  }
0x81: {  	_ =	swait.ge @!p0 [sflag:s0], s1  }
0x82: {  	s1 =	ssub.s32 @!p0 $0x0, s1;
	[sflag:s0] =	ssyncset.done @!p0 $0x0  }
0x83: {  	[sflag:s0] =	ssyncadd.s32 @!p0 s1  }
0x84: {  	[bflag:$0x3] =	sbarrier.arrive $0xFFFF  }
0x85: {  	_ =	shalt  }

// kernel: kernel.8.cloned.1.call-start
scs
__scs_entry_jumppad:
0x0: {  	(pc) =	sbr.rel $0x88, $3  }
0x1: {  	(tag) =	ssettag $0x0;
	lr =	simm.s32 $0x1  }
0x2: {  	[smem:$0x3F9D] =	sst lr;
	_ =	strace $0xD0000000  }
0x3: {  	_ = 	snop  }
0x4: {  	_ = 	snop  }
0x5: {  	_ = 	snop  }
0x6: {  	_ = 	snop  }
0x7: {  	_ = 	snop  }
__scs_overlays_trampoline_lowered:
0x8: {  	[smem:$0x3FAC] =	sst s0  }
0x9: {  	[smem:$0x3FAD] =	sst s1  }
0xa: {  	[smem:$0x3FAE] =	sst s2  }
0xb: {  	[smem:$0x3FAF] =	sst s3  }
0xc: {  	[smem:$0x3FB0] =	sst s4  }
0xd: {  	[smem:$0x3FB1] =	sst s5  }
0xe: {  	[smem:$0x3FB2] =	sst s6  }
0xf: {  	[smem:$0x3FB3] =	sst s7  }
0x10: {  	[smem:$0x3FB4] =	sst s8  }
0x11: {  	[smem:$0x3FB5] =	sst s9;
	s0 =	simm.s32 @!p0 $0x0  }
0x12: {  	s1 =	sld [smem:$0x3F9B];
	s0 =	simm.s32 @p0 $0x1  }
0x13: {  	[smem:$0x3FB6] =	sst s0;
	s0 =	simm.s32 @!p1 $0x0  }
0x14: {  	s2 =	sld [smem:$0x3F9A];
	s0 =	simm.s32 @p1 $0x1  }
0x15: {  	[smem:$0x3FB7] =	sst s0;
	s0 =	simm.s32 @!p2 $0x0  }
0x16: {  	s3 =	sld [smem:$0x3FDB];
	s0 =	simm.s32 @p2 $0x1  }
0x17: {  	s4 =	simm.s32 $0x1BF5;
	[smem:$0x3FB9] =	sst s0  }
0x18: {  	s0 =	sld [smem:$0x3F9C];
	_ =	swait.ge [sflag:s4], $0x0  }
0x19: {  	s7 =	sld [smem:$0x3F9D]  }
0x1a: {  	s8 =	sadd.s32 $0xFFFFE003, lr  }
0x1b: {  	s9 =	sadd.s32 $0xFFFFFEF7, lr;
	s5 =	simm.s32 $0xFFFFFFFF;
	p2 =	slt.u32 s8, $0xFFFFF086  }
0x1c: {  	p1 =	slt.u32 s9, $0xF7A;
	s5 =	simm.s32 @!p2 $0x0  }
0x1d: {  	s5 =	simm.s32 @p1 $0x1;
	p0 =	seq.s32 s7, s2  }
0x1e: {  	s7 =	smul.u32 @!p0 $0xF7A, s2;
	p2 =	seq.s32 @!p0 s5, $0x0  }
0x1f: {  	s9 =	smul.u32 $0xF7A, s1;
	s8 =	simm.s32 @!p0 $0x1BF5;
	p2 =	por !p2, p0  }
0x20: {  	[sflag:s8] =	ssyncset.s32 @!p0 $0xFFFFF086;
	s6 =	sadd.s32 @!p0 s3, s7;
	s7 =	simm.s32 @!p0 $0x108  }
0x21: {  	s3 =	sadd.s32 s3, s9;
	s6 =	sadd.s32 @!p0 $0x88, s6;
	s7 =	simm.s32 @p2 $0x1082  }
0x22: {  	[simem:s7], [sflag:s8] =	dma.local @!p0 [hbm:s6], $0xF7A  }
0x23: {  	s9 =	sor.u32 $0xD0000000, s2;
	s6 =	simm.s32 $0x108;
	_ =	swait.ge @!p0 [sflag:s8], $0x0  }
0x24: {  	s3 =	sadd.s32 $0x88, s3;
	s6 =	simm.s32 @!p1 $0x1082;
	[sflag:s4] =	ssyncset.s32 $0xFFFFF086  }
0x25: {  	[simem:s6], [sflag:s4] =	dma.local [hbm:s3], $0xF7A  }
0x26: {  	[smem:$0x3F9D] =	sst s1;
	(tag) =	ssettag s2;
	_ =	strace s9  }
0x27: {  	s1 =	sld [smem:$0x3FAD]  }
0x28: {  	s2 =	sld [smem:$0x3FAE]  }
0x29: {  	s4 =	sld [smem:$0x3FB0]  }
0x2a: {  	p0 =	seq.s32 s5, $0x0;
	s5 =	sld [smem:$0x3FB1]  }
0x2b: {  	s6 =	sld [smem:$0x3FB2]  }
0x2c: {  	s7 =	sld [smem:$0x3FB3]  }
0x2d: {  	s3 =	simm.s32 $0x108;
	s8 =	sld [smem:$0x3FB4]  }
0x2e: {  	s3 =	simm.s32 @!p0 $0x1082;
	s9 =	sld [smem:$0x3FB5]  }
0x2f: {  	lr =	sadd.s32 s0, s3;
	s0 =	sld [smem:$0x3FAC]  }
0x30: {  	s3 =	sld [smem:$0x3FAF]  }
0x31: {  	[smem:$0x3FB8] =	sst s10  }
0x32: {  	s10 =	sld [smem:$0x3FB6];
	_ =	sdelay $0x3  }
0x33: {  	p0 =	seq.s32 s10, $0x1;
	s10 =	sld [smem:$0x3FB8];
	_ =	sdelay $0x3  }
0x34: {  	[smem:$0x3FB8] =	sst s10  }
0x35: {  	s10 =	sld [smem:$0x3FB7];
	_ =	sdelay $0x3  }
0x36: {  	p1 =	seq.s32 s10, $0x1;
	s10 =	sld [smem:$0x3FB8];
	_ =	sdelay $0x3  }
0x37: {  	[smem:$0x3FB8] =	sst s10  }
0x38: {  	s10 =	sld [smem:$0x3FB9]  }
0x39: {  	_ = 	snop;
	(pc) =	sbr.ind lr, $3  }
0x3a: {  	_ = 	snop  }
0x3b: {  	_ = 	snop  }
0x3c: {  	p2 =	seq.s32 s10, $0x1;
	s10 =	sld [smem:$0x3FB8]  }
0x3d: {  	_ =	shalt  }
0x3e: {  	_ =	shalt  }
0x3f: {  	_ =	shalt  }
0x40: {  	_ =	shalt  }
0x41: {  	_ =	shalt  }
0x42: {  	_ =	shalt  }
0x43: {  	_ =	shalt  }
0x44: {  	_ =	shalt  }
0x45: {  	_ =	shalt  }
0x46: {  	_ =	shalt  }
0x47: {  	_ =	shalt  }
0x48: {  	_ =	shalt  }
0x49: {  	_ =	shalt  }
0x4a: {  	_ =	shalt  }
0x4b: {  	_ =	shalt  }
0x4c: {  	_ =	shalt  }
0x4d: {  	_ =	shalt  }
0x4e: {  	_ =	shalt  }
0x4f: {  	_ =	shalt  }
0x50: {  	_ =	shalt  }
0x51: {  	_ =	shalt  }
0x52: {  	_ =	shalt  }
0x53: {  	_ =	shalt  }
0x54: {  	_ =	shalt  }
0x55: {  	_ =	shalt  }
0x56: {  	_ =	shalt  }
0x57: {  	_ =	shalt  }
0x58: {  	_ =	shalt  }
0x59: {  	_ =	shalt  }
0x5a: {  	_ =	shalt  }
0x5b: {  	_ =	shalt  }
0x5c: {  	_ =	shalt  }
0x5d: {  	_ =	shalt  }
0x5e: {  	_ =	shalt  }
0x5f: {  	_ =	shalt  }
0x60: {  	_ =	shalt  }
0x61: {  	_ =	shalt  }
0x62: {  	_ =	shalt  }
0x63: {  	_ =	shalt  }
0x64: {  	_ =	shalt  }
0x65: {  	_ =	shalt  }
0x66: {  	_ =	shalt  }
0x67: {  	_ =	shalt  }
0x68: {  	_ =	shalt  }
0x69: {  	_ =	shalt  }
0x6a: {  	_ =	shalt  }
0x6b: {  	_ =	shalt  }
0x6c: {  	_ =	shalt  }
0x6d: {  	_ =	shalt  }
0x6e: {  	_ =	shalt  }
0x6f: {  	_ =	shalt  }
0x70: {  	_ =	shalt  }
0x71: {  	_ =	shalt  }
0x72: {  	_ =	shalt  }
0x73: {  	_ =	shalt  }
0x74: {  	_ =	shalt  }
0x75: {  	_ =	shalt  }
0x76: {  	_ =	shalt  }
0x77: {  	_ =	shalt  }
0x78: {  	_ =	shalt  }
0x79: {  	_ =	shalt  }
0x7a: {  	_ =	shalt  }
0x7b: {  	_ =	shalt  }
0x7c: {  	_ =	shalt  }
0x7d: {  	_ =	shalt  }
0x7e: {  	_ =	shalt  }
0x7f: {  	_ =	shalt  }
0x80: {  	_ =	shalt  }
0x81: {  	_ =	shalt  }
0x82: {  	_ =	shalt  }
0x83: {  	_ =	shalt  }
0x84: {  	_ =	shalt  }
0x85: {  	_ =	shalt  }
0x86: {  	_ =	shalt  }
0x87: {  	_ =	shalt  }
.Lfunc_end0:
.L_simem_size_0:
called_computation.1_lowered:
.L_overlay_start_0:
0x88: {  	s2 =	sld [smem:$0x3FD9]  }
0x89: {  	s3 =	sld [smem:$0x3FFE];
	_ =	sdelay $0x1  }
0x8a: {  	s1 =	srdreg.scid  }
0x8b: {  	s0 =	sand.u32 $0x1, s1  }
0x8c: {  	s17 =	sshll.u32 s0, $0xA;
	s2 =	sadd.s32 s3, s2  }
0x8d: {  	s2 =	sadd.s32 s2, s17  }
0x8e: {  	[smem:$0x3FC4] =	sst s2  }
0x8f: {  	_ = 	snop  }
0x90: {  	(tm) =	ssettm $0x1  }
0x91: {  	s18 =	sld [smem:$0x3FFB];
	_ =	sdelay $0x3  }
0x92: {  	_ =	strace s18  }
0x93: {  	s2 =	sld [smem:$0x3FFC];
	_ =	sdelay $0x3  }
0x94: {  	_ =	strace s2  }
0x95: {  	s2 =	sld [smem:$0x3FFD];
	_ =	sdelay $0x3  }
0x96: {  	_ =	strace s2  }
0x97: {  	_ =	strace $0x8FFFFFFF  }
0x98: {  	s19 =	sld [smem:$0x3FDB];
	_ =	sdelay $0x1  }
0x99: {  	s20 =	simm.s32 $_scs_section_size  }
0x9a: {  	s4 =	simm.s32 $_size__tile_overlayer_lowered;
	s5 =	simm.s32 $_tile_overlayer_lowered  }
0x9b: {  	s6 =	simm.s32 $0x1BFF;
	s21 =	sshll.u32 s5, $0x1;
	s3 =	sadd.s32 s20, s19  }
0x9c: {  	s22 =	simm.s32 $0x0;
	s4 =	sshll.u32 s4, $0x1;
	s5 =	sadd.s32 s21, s3  }
0x9d: {  	[timem:s22], [sflag:s6] =	dma.local [hbm:s5], s4  }
0x9e: {  	_ =	swait.ge [sflag:s6], s4  }
0x9f: {  	s4 =	ssub.s32 $0x0, s4;
	[sflag:s6] =	ssyncset.done $0x0  }
0xa0: {  	[sflag:s6] =	ssyncadd.s32 s4;
	_ =	sdelay $0x1  }
0xa1: {  	s23 =	simm.s32 $0x1B8B  }
0xa2: {  	_ =	swait.ge [sflag:s23], $0x1  }
0xa3: {  	[sflag:s23] =	ssyncset.done $0x0  }
0xa4: {  	[sflag:s23] =	ssyncadd.s32 $0xFFFFFFFF  }
0xa5: {  	s4 =	sld [smem:$0x0]  }
0xa6: {  	s5 =	sand.u32 $0xFFFFFFFE, s1  }
0xa7: {  	p0 =	sne.s32 s1, s5  }
0xa8: {  	s5 =	sshll.u32 @p0 s5, $0xE  }
0xa9: {  	s5 =	sadd.s32 @p0 $0x11B8D, s5;
	s6 =	sshll.u32 @p0 s4, $0x11  }
0xaa: {  	s5 =	sor.u32 @p0 s6, s5  }
0xab: {  	[sflag:s5] =	ssyncadd.remote.s32 @p0 $0x1;
	_ =	sdelay $0x1  }
0xac: {  	s5 =	simm.s32 @p0 $0x1B8D  }
0xad: {  	_ =	swait.eq @p0 [sflag:s5], $0x1  }
0xae: {  	[sflag:s5] =	ssyncadd.s32 @p0 $0xFFFFFFFF  }
0xaf: {  	s6 =	sshll.u32 @!p0 s1, $0xE  }
0xb0: {  	s6 =	sor.u32 @!p0 $0x4000, s6;
	s5 =	simm.s32 @!p0 $0x1B8D  }
0xb1: {  	s4 =	sshll.u32 @!p0 s4, $0x11;
	s6 =	sadd.s32 @!p0 $0x11B8D, s6;
	_ =	swait.eq @!p0 [sflag:s5], $0x1  }
0xb2: {  	s4 =	sor.u32 @!p0 s4, s6;
	[sflag:s5] =	ssyncadd.s32 @!p0 $0xFFFFFFFF  }
0xb3: {  	s25 =	simm.s32 $0x1B8E;
	s24 =	sld [smem:$0x3FFE];
	[sflag:s4] =	ssyncadd.remote.s32 @!p0 $0x1  }
0xb4: {  	s26 =	simm.s32 $execute0_lowered;
	[smem:$0x3FD2] =	sst s25  }
0xb5: {  	s5 =	sshll.u32 s26, $0x1;
	_ =	strace $0x80000049;
	[dreg:$0x1] =	wrdreg $0xFFFFFFFF  }
0xb6: {  	s28 =	simm.s32 $_size_execute0_lowered;
	s3 =	sadd.s32 s3, s5;
	[dreg:$0x0] =	wrdreg $0x0  }
0xb7: {  	s5 =	sshll.u32 s28, $0x1;
	[dreg:$0x2] =	wrdreg s3  }
0xb8: {  	[dreg:$0x3] =	wrdreg s5  }
0xb9: {  	[dreg:$0x4] =	wrdreg $0xC0  }
0xba: {  	_ =	task [dreg:s22], $0x5FFFF  }
0xbb: {  	[dreg:$0x1] =	wrdreg $0xFFFFFFFF  }
0xbc: {  	[dreg:$0x0] =	wrdreg $0x60  }
0xbd: {  	[dreg:$0x2] =	wrdreg s24  }
0xbe: {  	[dreg:$0x3] =	wrdreg $0xA  }
0xbf: {  	_ =	task.clear_ibuf [dreg:s22], $0x4FFFF;
	_ =	strace $0x90000049  }
0xc0: {  	s29 =	simm.s32 $0xA;
	_ =	strace $0x8000004B  }
0xc1: {  	_ =	swait.ge [sflag:s29], $0x1  }
0xc2: {  	[sflag:s29] =	ssyncadd.s32 $0xFFFFFFFF  }
0xc3: {  	_ =	strace $0x9000004B  }
0xc4: {  	_ =	sfence  }
0xc5: {  	s30 =	sld [smem:$0x0];
	_ =	sdelay $0x2  }
0xc6: {  	s31 =	sshll.u32 s1, $0xD;
	s1 =	sshrl.u32 s1, $0x2  }
0xc7: {  	s4 =	sand.u32 $0x4000, s31;
	s1 =	sadd.s32 s1, s30  }
0xc8: {  	s0 =	sor.u32 s4, s0;
	s1 =	sshll.u32 s1, $0x11  }
0xc9: {  	s0 =	sor.u32 s1, s0  }
0xca: {  	s0 =	sadd.s32 $0x8F2B, s0  }
0xcb: {  	[sflag:s0] =	ssyncadd.remote.s32 $0x1  }
0xcc: {  	_ =	sfence.sel $0xFFFF  }
0xcd: {  	[dreg:$0x0] =	wrdreg $0xFFFFFFFF;
	(pc) =	sbr.abs _section_cstart, $3  }
0xce: {  	[dreg:$0x1] =	wrdreg $0xFFFFFFFF  }
0xcf: {  	_ =	task.clear_ibuf [dreg:s22], $0x2FFFF;
	_ =	strace $0x9FFFFFFF  }
0xd0: {  	(tm) =	ssettm $0x7FFFFFFF  }
0xd1: {  	_ =	shalt  }
tec
execute0_lowered:
.L_overlay_start_1:
0x0: {  	(tag) =	ssettag $0x1  }
0x1: {  	s1 =	srdreg.scid  }
0x2: {  	s0 =	stileid.u32;
	s3 =	rddreg [dreg:$0x0]  }
0x3: {  	s2 =	simm.s32 $0x0;
	s8 =	simm.s32 $0x2;
	s9 =	simm.s32 $0x0  }
0x4: {  	s4 =	sand.u32 $0x1, s1;
	s5 =	sshll.u32 s0, $0x1;
	s1 =	rddreg [dreg:$0x1]  }
0x5: {  	[smem:$0x7FF] =	sst s2;
	s5 =	sor.u32 s4, s5;
	s4 =	ssub.s32 $0x2, s4  }
0x6: {  	s6 =	smul.u32 $0xC80, s5;
	s5 =	sshll.u32 s5, $0xD;
	s7 =	sshrl.u32 s4, $0x1  }
0x7: {  	_ =	strace $0x8000004A;
	s5 =	sadd.s32 s5, s3;
	s7 =	ssub.s32 s4, s7  }
0x8: {  	s6 =	sadd.s32 s6, s3;
	s4 =	sadd.s32 $0x22200, s5;
	s5 =	smax.u32 s7, $0x1  }
0x9: {  	v0 =	vimm.f32 $0.0e+00;
	v1 =	vlaneseq.u32;
	v2 =	vimm.f32 $1.000000000e+00;
	s7 =	simm.s32 $0x6400;
	s3 =	sadd.s32 $0x9200, s6;
	s6 =	simm.s32 $0x1  }
.LBB2_1:
0xa: {  	[tilespmem:s2], [sflag:$0x1] =	stream.linear.gather [hbm4b:s3+s2], $0x6400, $0x38;
	[tilespmem:$0x16400] =	vst v63  }
0xb: {  	s10 =	simm.s32 $0x6600  }
0xc: {  	[tilespmem:s10+$0xFFFFFE00] =	vst v0  }
0xd: {  	[tilespmem:s10+$0x190] =	vst v0  }
0xe: {  	[tilespmem:s10+$0x180] =	vst v0  }
0xf: {  	[tilespmem:s10+$0x110] =	vst v0  }
0x10: {  	[tilespmem:s10+$0x100] =	vst v0  }
0x11: {  	[tilespmem:s10+$0x90] =	vst v0  }
0x12: {  	[tilespmem:s10+$0x80] =	vst v0  }
0x13: {  	[tilespmem:s10+$0x10] =	vst v0  }
0x14: {  	[tilespmem:s10+$0x0] =	vst v0  }
0x15: {  	[tilespmem:s10+$0xFFFFFF90] =	vst v0  }
0x16: {  	[tilespmem:s10+$0xFFFFFF80] =	vst v0  }
0x17: {  	[tilespmem:s10+$0xFFFFFF10] =	vst v0  }
0x18: {  	[tilespmem:s10+$0xFFFFFF00] =	vst v0  }
0x19: {  	[tilespmem:s10+$0xFFFFFE90] =	vst v0  }
0x1a: {  	s11 =	simm.s32 $0x0;
	[tilespmem:s10+$0xFFFFFE80] =	vst v0  }
.LBB2_2:
0x1b: {  	s11 =	sadd.s32 $0x8, s11;
	[tilespmem:s10+$0xFFFFFE10] =	vst v0;
	s10 =	sadd.s32 $0x400, s10  }
0x1c: {  	[tilespmem:s10+$0xFFFFFE00] =	vst v0;
	p0 =	slt.u32 s11, $0x1F8  }
0x1d: {  	[tilespmem:s10+$0x190] =	vst v0  }
0x1e: {  	[tilespmem:s10+$0x180] =	vst v0  }
0x1f: {  	[tilespmem:s10+$0x110] =	vst v0  }
0x20: {  	[tilespmem:s10+$0x100] =	vst v0  }
0x21: {  	[tilespmem:s10+$0x90] =	vst v0  }
0x22: {  	[tilespmem:s10+$0x80] =	vst v0  }
0x23: {  	[tilespmem:s10+$0x10] =	vst v0  }
0x24: {  	[tilespmem:s10+$0x0] =	vst v0  }
0x25: {  	[tilespmem:s10+$0xFFFFFF90] =	vst v0  }
.Ltmp0:
0x26: {  	[tilespmem:s10+$0xFFFFFF80] =	vst v0;
	(pc) =	sbr.rel @p0 .LBB2_2-.Ltmp0, $4  }
0x27: {  	[tilespmem:s10+$0xFFFFFF10] =	vst v0  }
0x28: {  	[tilespmem:s10+$0xFFFFFF00] =	vst v0  }
0x29: {  	[tilespmem:s10+$0xFFFFFE90] =	vst v0  }
0x2a: {  	[tilespmem:s10+$0xFFFFFE80] =	vst v0  }
0x2b: {  	[tilespmem:s10+$0xFFFFFE10] =	vst v0  }
0x2c: {  	_ =	swait.ge [sflag:s6], $0x6400  }
0x2d: {  	[sflag:s6] =	ssyncset.done $0x0  }
0x2e: {  	s10 =	simm.s32 $0x0;
	s11 =	simm.s32 $0x0;
	[sflag:s6] =	ssyncadd.s32 $0xFFFF9C00  }
.LBB2_4:
0x2f: {  	s12 =	sshll.u32 s11, $0x4  }
0x30: {  	v3 =	vor.u32 s12, v1  }
0x31: {  	v4 =	vmul.u32 $0x32, v3;
	_ =	sdelay $0x1  }
0x32: {  	s25 =	simm.s32 $0x9;
	v5 =	vadd.s32 s10, v4  }
0x33: {  	s26 =	simm.s32 $0x8;
	v7 =	vadd.s32 s25, v4  }
0x34: {  	s13 =	simm.s32 $0x7;
	v8 =	vadd.s32 s26, v4  }
0x35: {  	s28 =	simm.s32 $0x6;
	v14 =	vadd.s32 s13, v4  }
0x36: {  	s29 =	simm.s32 $0x5;
	v11 =	vadd.s32 s28, v4  }
0x37: {  	s14 =	simm.s32 $0x4;
	v9 =	vadd.s32 s29, v4;
	v6 =	vld.idx.msk [tilespmem:v5+s2+$0x0], $0xffff  }
0x38: {  	s30 =	simm.s32 $0x3;
	v10 =	vadd.s32 s14, v4;
	v5 =	vld.idx.msk [tilespmem:v7+s2+$0x0], $0xffff  }
0x39: {  	s31 =	simm.s32 $0x2;
	v12 =	vadd.s32 s30, v4;
	v7 =	vld.idx.msk [tilespmem:v8+s2+$0x0], $0xffff  }
0x3a: {  	s12 =	simm.s32 $0xA;
	v3 =	vshll.u32 v3, $0x7;
	s13 =	simm.s32 $0x1;
	v13 =	vadd.s32 s31, v4;
	v8 =	vld.idx.msk [tilespmem:v14+s2+$0x0], $0xffff  }
.LBB2_5:
0x3b: {  	p0 =	slt.u32 s12, $0x28;
	v14 =	vadd.s32 s13, v4;
	v11 =	vld.idx.msk [tilespmem:v11+s2+$0x0], $0xffff  }
0x3c: {  	v15 =	vadd.s32 s12, v4;
	v6 =	vand.u32 $0x1F, v6;
	v9 =	vld.idx.msk [tilespmem:v9+s2+$0x0], $0xffff  }
0x3d: {  	s13 =	sadd.s32 $0x9, s12;
	v16 =	vor.u32 v3, v6;
	v10 =	vld.idx.msk [tilespmem:v10+s2+$0x0], $0xffff  }
0x3e: {  	v5 =	vand.u32 $0x1F, v5;
	v17 =	vadd.s32 s13, v4;
	v12 =	vld.idx.msk [tilespmem:v12+s2+$0x0], $0xffff  }
0x3f: {  	v6 =	vand.u32 $0x1F, v7;
	v7 =	vor.u32 v3, v5;
	v13 =	vld.idx.msk [tilespmem:v13+s2+$0x0], $0xffff  }
0x40: {  	v5 =	vand.u32 $0x1F, v8;
	v8 =	vor.u32 v3, v6;
	v14 =	vld.idx.msk [tilespmem:v14+s2+$0x0], $0xffff  }
0x41: {  	v11 =	vand.u32 $0x1F, v11;
	v6 =	vld.idx.msk [tilespmem:v15+s2+$0x0], $0xffff;
	v15 =	vor.u32 v3, v5  }
0x42: {  	v9 =	vand.u32 $0x1F, v9;
	v11 =	vor.u32 v3, v11;
	[tilespmem:v16+s7+$0x0] =	vst.idx.add.f32.msk $0xffff, v2  }
0x43: {  	v10 =	vand.u32 $0x1F, v10;
	v9 =	vor.u32 v3, v9;
	v5 =	vld.idx.msk [tilespmem:v17+s2+$0x0], $0xffff  }
0x44: {  	v12 =	vand.u32 $0x1F, v12;
	v10 =	vor.u32 v3, v10;
	[tilespmem:v7+s7+$0x0] =	vst.idx.add.f32.msk $0xffff, v2  }
0x45: {  	v7 =	vand.u32 $0x1F, v13;
	v12 =	vor.u32 v3, v12;
	[tilespmem:v8+s7+$0x0] =	vst.idx.add.f32.msk $0xffff, v2  }
0x46: {  	v8 =	vand.u32 $0x1F, v14;
	v7 =	vor.u32 v3, v7;
	[tilespmem:v15+s7+$0x0] =	vst.idx.add.f32.msk $0xffff, v2  }
0x47: {  	s13 =	sadd.s32 $0x8, s12;
	v8 =	vor.u32 v3, v8;
	[tilespmem:v11+s7+$0x0] =	vst.idx.add.f32.msk $0xffff, v2  }
0x48: {  	s14 =	sadd.s32 $0x7, s12;
	v13 =	vadd.s32 s13, v4;
	[tilespmem:v9+s7+$0x0] =	vst.idx.add.f32.msk $0xffff, v2  }
0x49: {  	s13 =	sadd.s32 $0x6, s12;
	v14 =	vadd.s32 s14, v4;
	[tilespmem:v10+s7+$0x0] =	vst.idx.add.f32.msk $0xffff, v2  }
.Ltmp1:
0x4a: {  	s14 =	sadd.s32 $0x5, s12;
	v11 =	vadd.s32 s13, v4;
	[tilespmem:v12+s7+$0x0] =	vst.idx.add.f32.msk $0xffff, v2;
	(pc) =	sbr.rel @p0 .LBB2_5-.Ltmp1, $4  }
0x4b: {  	s13 =	sadd.s32 $0x4, s12;
	v9 =	vadd.s32 s14, v4;
	[tilespmem:v7+s7+$0x0] =	vst.idx.add.f32.msk $0xffff, v2  }
0x4c: {  	s14 =	sadd.s32 $0x3, s12;
	v10 =	vadd.s32 s13, v4;
	[tilespmem:v8+s7+$0x0] =	vst.idx.add.f32.msk $0xffff, v2  }
0x4d: {  	s15 =	sadd.s32 $0x2, s12;
	v12 =	vadd.s32 s14, v4;
	v7 =	vld.idx.msk [tilespmem:v13+s2+$0x0], $0xffff  }
0x4e: {  	s13 =	sadd.s32 $0x1, s12;
	s12 =	sadd.s32 $0xA, s12;
	v13 =	vadd.s32 s15, v4;
	v8 =	vld.idx.msk [tilespmem:v14+s2+$0x0], $0xffff  }
0x4f: {  	_ =	sdelay $0x3  }
0x50: {  	v4 =	vadd.s32 s13, v4;
	v11 =	vld.idx.msk [tilespmem:v11+s2+$0x0], $0xffff  }
0x51: {  	v6 =	vand.u32 $0x1F, v6;
	v9 =	vld.idx.msk [tilespmem:v9+s2+$0x0], $0xffff  }
0x52: {  	v10 =	vld.idx.msk [tilespmem:v10+s2+$0x0], $0xffff;
	v5 =	vand.u32 $0x1F, v5;
	v6 =	vor.u32 v3, v6  }
0x53: {  	v12 =	vld.idx.msk [tilespmem:v12+s2+$0x0], $0xffff;
	v5 =	vor.u32 v3, v5;
	v7 =	vand.u32 $0x1F, v7  }
0x54: {  	v13 =	vld.idx.msk [tilespmem:v13+s2+$0x0], $0xffff;
	v8 =	vand.u32 $0x1F, v8;
	v7 =	vor.u32 v3, v7  }
0x55: {  	v4 =	vld.idx.msk [tilespmem:v4+s2+$0x0], $0xffff;
	v11 =	vand.u32 $0x1F, v11;
	v8 =	vor.u32 v3, v8  }
0x56: {  	v9 =	vand.u32 $0x1F, v9;
	v11 =	vor.u32 v3, v11  }
0x57: {  	v61 =	vand.u32 $0x1F, v10;
	[tilespmem:v6+s7+$0x0] =	vst.idx.add.f32.msk $0xffff, v2;
	v9 =	vor.u32 v3, v9  }
0x58: {  	v62 =	vand.u32 $0x1F, v12;
	v6 =	vor.u32 v3, v61;
	[tilespmem:v5+s7+$0x0] =	vst.idx.add.f32.msk $0xffff, v2  }
0x59: {  	v63 =	vand.u32 $0x1F, v13;
	v10 =	vor.u32 v3, v62;
	[tilespmem:v7+s7+$0x0] =	vst.idx.add.f32.msk $0xffff, v2  }
0x5a: {  	s11 =	sadd.s32 $0x1, s11;
	v5 =	vor.u32 v3, v63;
	v4 =	vand.u32 $0x1F, v4;
	[tilespmem:v8+s7+$0x0] =	vst.idx.add.f32.msk $0xffff, v2  }
0x5b: {  	p0 =	sne.s32 s11, $0x20;
	v3 =	vor.u32 v3, v4;
	[tilespmem:v11+s7+$0x0] =	vst.idx.add.f32.msk $0xffff, v2  }
.Ltmp2:
0x5c: {  	[tilespmem:v9+s7+$0x0] =	vst.idx.add.f32.msk $0xffff, v2;
	(pc) =	sbr.rel @p0 .LBB2_4-.Ltmp2, $4  }
0x5d: {  	[tilespmem:v6+s7+$0x0] =	vst.idx.add.f32.msk $0xffff, v2  }
0x5e: {  	[tilespmem:v10+s7+$0x0] =	vst.idx.add.f32.msk $0xffff, v2  }
0x5f: {  	[tilespmem:v5+s7+$0x0] =	vst.idx.add.f32.msk $0xffff, v2  }
0x60: {  	[tilespmem:v3+s7+$0x0] =	vst.idx.add.f32.msk $0xffff, v2  }
0x61: {  	s9 =	sadd.s32 $0x1, s9  }
0x62: {  	p0 =	sne.s32 s9, s5  }
.Ltmp3:
0x63: {  	_ = 	snop;
	(pc) =	sbr.rel @p0 .LBB2_1-.Ltmp3, $4  }
0x64: {  	[hbm4b:s4+s2] =	stream.linear.scatter [tilespmem:s7], [sflag:$0x2], $0x10000, $0x38;
	[tilespmem:$0x16400] =	vst v63  }
0x65: {  	_ =	swait.ge [sflag:s8], $0x10000  }
0x66: {  	[sflag:s8] =	ssyncset.done $0x0  }
0x67: {  	[sflag:s8] =	ssyncadd.s32 $0xFFFF0000  }
0x68: {  	_ =	sfence.sel $0x180000  }
0x69: {  	[bflag:$0x0] =	sbarrier.arrive $0xFFFF  }
0x6a: {  	p0 =	sne.s32 s0, $0x0;
	_ =	strace $0x9000004A  }
0x6b: {  	s0 =	sadd.s32 @!p0 $0x100000, s1;
	[bflag:$0x2] =	sbarrier.arrive $0xFFFF  }
0x6c: {  	[sflag:s0] =	ssyncadd.tile.s32 @!p0 $0x1;
	_ =	shalt  }
.Lfunc_end2:
_tile_overlayer_lowered:
.L_overlay_start_2:
0x6d: {  	(tag) =	ssettag $0x2  }
0x6e: {  	s0 =	rddreg [dreg:$0x0];
	s2 =	stileid.u32  }
0x6f: {  	s1 =	rddreg [dreg:$0x1];
	p0 =	sne.s32 s2, $0x0  }
0x70: {  	s3 =	rddreg [dreg:$0x2];
	[bflag:$0x3] =	sbarrier.arrive $0xFFFF;
	s2 =	simm.s32 @!p0 $0x1C02  }
0x71: {  	[timem:s3], [sflag:s2] =	dma.local @!p0 [hbm:s0], s1  }
0x72: {  	s0 =	simm.s32 @!p0 $0x2  }
0x73: {  	_ =	swait.ge @!p0 [sflag:s0], s1  }
0x74: {  	s1 =	ssub.s32 @!p0 $0x0, s1;
	[sflag:s0] =	ssyncset.done @!p0 $0x0  }
0x75: {  	[sflag:s0] =	ssyncadd.s32 @!p0 s1  }
0x76: {  	[bflag:$0x3] =	sbarrier.arrive $0xFFFF  }
0x77: {  	_ =	shalt  }

</sc_bundles>
